<compile_context>
chip_gen: v7x
topology: tpu7x:2x2x1
jax: 0.10.2.dev20260603
libtpu: 0.0.44.dev20260713+nightly
codegen_flags: <defaults>
</compile_context>

<pallas_src>
import jax
import jax.numpy as jnp
from jax import lax
from jax.experimental import pallas as pl
from jax.experimental.pallas import tpu as pltpu
from jax.experimental.pallas import tpu_sc as plsc

IOU_T = 0.5
SCORE_T = 0.5
MAXDET = 100
NEG_INF = float("-inf")

NIMG = 8
NBOX = 20000
NCLS = 80
NWORK = 32
WPI = NWORK // NIMG
CHUNK = NBOX // WPI
QUOTA = 384
TIER = WPI * QUOTA
TIER_TOTAL = 1024
T_FIX = float((1.0 - TIER_TOTAL / NBOX) ** (1.0 / NCLS))


def _conf_kernel(cls_ref, conf_ref, cid_ref):
    c = cls_ref[...]
    m = jnp.max(c, axis=1)
    conf_ref[...] = m
    i3 = lax.broadcasted_iota(jnp.int32, c.shape, 1)
    cid_ref[...] = jnp.min(jnp.where(c == m[:, None, :], i3, c.shape[1]),
                           axis=1)


def _sc_compact_kernel(conf_hbm, box_hbm, cid_hbm,
                       sco_hbm, y0o_hbm, x0o_hbm, y1o_hbm, x1o_hbm,
                       cido_hbm, idxo_hbm, cnt_hbm,
                       conf_v, y0_v, x0_v, y1_v, x1_v, cid_v, sbuf, ibuf,
                       y0b, x0b, y1b, x1b, cidb, igb, cbuf):
    wid = lax.axis_index("s") * 2 + lax.axis_index("c")
    img = wid // WPI
    wq = wid % WPI
    base = img * NBOX + wq * CHUNK
    bbase = img * (NBOX * 4) + wq * CHUNK

    pltpu.sync_copy(conf_hbm.at[pl.ds(base, CHUNK)], conf_v.at[pl.ds(0, CHUNK)])
    pltpu.sync_copy(box_hbm.at[pl.ds(bbase, CHUNK)], y0_v.at[pl.ds(0, CHUNK)])
    pltpu.sync_copy(box_hbm.at[pl.ds(bbase + NBOX, CHUNK)],
                    x0_v.at[pl.ds(0, CHUNK)])
    pltpu.sync_copy(box_hbm.at[pl.ds(bbase + 2 * NBOX, CHUNK)],
                    y1_v.at[pl.ds(0, CHUNK)])
    pltpu.sync_copy(box_hbm.at[pl.ds(bbase + 3 * NBOX, CHUNK)],
                    x1_v.at[pl.ds(0, CHUNK)])
    pltpu.sync_copy(cid_hbm.at[pl.ds(base, CHUNK)], cid_v.at[pl.ds(0, CHUNK)])

    lane = lax.broadcasted_iota(jnp.int32, (16,), 0)

    def pre(j, _):
        sbuf[pl.ds(j * 16, 16)] = jnp.full((16,), NEG_INF, jnp.float32)
        ibuf[pl.ds(j * 16, 16)] = jnp.zeros((16,), jnp.int32)
        return 0
    lax.fori_loop(0, (QUOTA + 16) // 16, pre, 0)

    def scan(i, off):
        b = i * 16
        v = conf_v[pl.ds(b, 16)]
        li = lane + b
        m = (li < CHUNK) & (v >= T_FIX)
        incl = plsc.cumsum(m.astype(jnp.int32))
        dest = off + incl - 1
        plsc.store_scatter(sbuf, [dest], v, mask=m)
        plsc.store_scatter(ibuf, [dest], li, mask=m)
        return off + jnp.max(incl)
    nscan = (CHUNK + 15) // 16
    cnt = lax.fori_loop(0, nscan, scan, jnp.int32(0))

    def clean(j, _):
        b = j * 16
        sl = lane + b
        s = sbuf[pl.ds(b, 16)]
        iv = ibuf[pl.ds(b, 16)]
        sbuf[pl.ds(b, 16)] = jnp.where(sl < cnt, s, NEG_INF)
        ibuf[pl.ds(b, 16)] = jnp.where(sl < cnt, iv, 0)
        return 0
    lax.fori_loop(0, QUOTA // 16, clean, 0)

    def gath(j, _):
        b = j * 16
        il = ibuf[pl.ds(b, 16)]
        y0b[pl.ds(b, 16)] = plsc.load_gather(y0_v, [il])
        x0b[pl.ds(b, 16)] = plsc.load_gather(x0_v, [il])
        y1b[pl.ds(b, 16)] = plsc.load_gather(y1_v, [il])
        x1b[pl.ds(b, 16)] = plsc.load_gather(x1_v, [il])
        cidb[pl.ds(b, 16)] = plsc.load_gather(cid_v, [il])
        igb[pl.ds(b, 16)] = il + wq * CHUNK
        return 0
    lax.fori_loop(0, QUOTA // 16, gath, 0)

    obase = img * TIER + wq * QUOTA
    pltpu.sync_copy(sbuf.at[pl.ds(0, QUOTA)], sco_hbm.at[pl.ds(obase, QUOTA)])
    pltpu.sync_copy(y0b, y0o_hbm.at[pl.ds(obase, QUOTA)])
    pltpu.sync_copy(x0b, x0o_hbm.at[pl.ds(obase, QUOTA)])
    pltpu.sync_copy(y1b, y1o_hbm.at[pl.ds(obase, QUOTA)])
    pltpu.sync_copy(x1b, x1o_hbm.at[pl.ds(obase, QUOTA)])
    pltpu.sync_copy(cidb, cido_hbm.at[pl.ds(obase, QUOTA)])
    pltpu.sync_copy(igb, idxo_hbm.at[pl.ds(obase, QUOTA)])
    cbuf[...] = jnp.zeros((16,), jnp.int32) + cnt
    pltpu.sync_copy(cbuf, cnt_hbm.at[pl.ds(wid * 16, 16)])


def _nms_kernel(conf_ref, bx_ref, cid_ref,
                sc_ref, y0c_ref, x0c_ref, y1c_ref, x1c_ref,
                cidc_ref, idxc_ref, wcnt_ref,
                selo_ref, confo_ref, cido_ref,
                by0o_ref, bx0o_ref, by1o_ref, bx1o_ref, nvo_ref,
                work_ref):
    acc_shape = (NIMG, 128)
    lane = lax.broadcasted_iota(jnp.int32, acc_shape, 1)
    conf0 = conf_ref[:, 0:1]
    b00 = bx_ref[:, :, 0:1]
    y00 = b00[:, 0]; x00 = b00[:, 1]
    y10 = b00[:, 2]; x10 = b00[:, 3]
    cid0 = cid_ref[:, 0:1]
    zf = jnp.zeros(acc_shape, jnp.float32)
    zi = jnp.zeros(acc_shape, jnp.int32)
    init = (zi, zf, zi, zf, zf, zf, zf, zi)

    def round_core(w, idx_arr, y0, x0, y1, x1, cidv,
                   ymin, ymax, xmin, xmax, area, i, state):
        sel_a, conf_a, cid_a, b0_a, b1_a, b2_a, b3_a, nv_a = state
        m = jnp.max(w, axis=1, keepdims=True)
        valid = m > NEG_INF
        eq = w == m
        besti = jnp.min(jnp.where(eq, idx_arr, NBOX), axis=1, keepdims=True)
        bm = eq & (idx_arr == besti)
        best = jnp.where(valid, besti, 0)

        def gthf(a, fallback):
            g = jnp.sum(jnp.where(bm, a, 0.0), axis=1, keepdims=True)
            return jnp.where(valid, g, fallback)

        by0 = gthf(y0, y00); bx0 = gthf(x0, x00)
        by1 = gthf(y1, y10); bx1 = gthf(x1, x10)
        bcid = jnp.sum(jnp.where(bm, cidv, 0), axis=1, keepdims=True)
        bcid = jnp.where(valid, bcid, cid0)
        bymin = jnp.minimum(by0, by1); bymax = jnp.maximum(by0, by1)
        bxmin = jnp.minimum(bx0, bx1); bxmax = jnp.maximum(bx0, bx1)
        inter_h = jnp.maximum(0.0, jnp.minimum(bymax, ymax)
                              - jnp.maximum(bymin, ymin))
        inter_w = jnp.maximum(0.0, jnp.minimum(bxmax, xmax)
                              - jnp.maximum(bxmin, xmin))
        inter = inter_h * inter_w
        area1 = (bymax - bymin) * (bxmax - bxmin)
        union = area1 + area - inter
        iou = jnp.where(union > 0, inter / union, 0.0)
        w_new = jnp.where(((iou > IOU_T) & valid) | bm, NEG_INF, w)

        hit = lane == i
        confp = jnp.where(valid, m, conf0)
        sel_a = jnp.where(hit, jnp.broadcast_to(best, acc_shape), sel_a)
        conf_a = jnp.where(hit, jnp.broadcast_to(confp, acc_shape), conf_a)
        cid_a = jnp.where(hit, jnp.broadcast_to(bcid, acc_shape), cid_a)
        b0_a = jnp.where(hit, jnp.broadcast_to(by0, acc_shape), b0_a)
        b1_a = jnp.where(hit, jnp.broadcast_to(bx0, acc_shape), b1_a)
        b2_a = jnp.where(hit, jnp.broadcast_to(by1, acc_shape), b2_a)
        b3_a = jnp.where(hit, jnp.broadcast_to(bx1, acc_shape), b3_a)
        nv_a = nv_a + jnp.broadcast_to(valid.astype(jnp.int32), acc_shape)
        return (sel_a, conf_a, cid_a, b0_a, b1_a, b2_a, b3_a, nv_a), w_new

    idxc = idxc_ref[...]
    y0c = y0c_ref[...]; x0c = x0c_ref[...]
    y1c = y1c_ref[...]; x1c = x1c_ref[...]
    cidc = cidc_ref[...]
    yminc = jnp.minimum(y0c, y1c); ymaxc = jnp.maximum(y0c, y1c)
    xminc = jnp.minimum(x0c, x1c); xmaxc = jnp.maximum(x0c, x1c)
    areac = (ymaxc - yminc) * (xmaxc - xminc)

    def tier_body(i, st):
        w, state = st
        state, w = round_core(w, idxc, y0c, x0c, y1c, x1c, cidc,
                              yminc, ymaxc, xminc, xmaxc, areac, i, state)
        return w, state

    w0 = sc_ref[...]
    _, tier_state = lax.fori_loop(0, MAXDET, tier_body, (w0, init))
    nv_tier = tier_state[7][:, 0:1]

    conf = conf_ref[...]
    c_all = jnp.sum((conf >= SCORE_T).astype(jnp.int32), axis=1,
                    keepdims=True)
    c_tier = jnp.sum((conf >= T_FIX).astype(jnp.int32), axis=1,
                     keepdims=True)
    below = c_all > c_tier
    over = jnp.max(wcnt_ref[...], axis=1, keepdims=True) > QUOTA
    need_full = over | (below & (nv_tier < MAXDET))
    any_full = jnp.max(need_full.astype(jnp.int32))

    def full_path(_):
        cf = conf_ref[...]
        work_ref[...] = jnp.where(cf >= SCORE_T, cf, NEG_INF)
        iota = lax.broadcasted_iota(jnp.int32, (NIMG, NBOX), 1)
        y0 = bx_ref[:, 0, :]; x0 = bx_ref[:, 1, :]
        y1 = bx_ref[:, 2, :]; x1 = bx_ref[:, 3, :]
        cidv = cid_ref[...]
        ymin = jnp.minimum(y0, y1); ymax = jnp.maximum(y0, y1)
        xmin = jnp.minimum(x0, x1); xmax = jnp.maximum(x0, x1)
        area = (ymax - ymin) * (xmax - xmin)

        def body(i, state):
            w = work_ref[...]
            state, w_new = round_core(w, iota, y0, x0, y1, x1, cidv,
                                      ymin, ymax, xmin, xmax, area, i, state)
            work_ref[...] = w_new
            return state

        return lax.fori_loop(0, MAXDET, body, init)

    def tier_path(_):
        return tier_state

    sel_a, conf_a, cid_a, b0_a, b1_a, b2_a, b3_a, nv_a = lax.cond(
        any_full > 0, full_path, tier_path, 0)
    selo_ref[...] = sel_a[:, :MAXDET]
    confo_ref[...] = conf_a[:, :MAXDET]
    cido_ref[...] = cid_a[:, :MAXDET]
    by0o_ref[...] = b0_a[:, :MAXDET]
    bx0o_ref[...] = b1_a[:, :MAXDET]
    by1o_ref[...] = b2_a[:, :MAXDET]
    bx1o_ref[...] = b3_a[:, :MAXDET]
    nvo_ref[...] = nv_a[:, :1]


def _run_conf(classes):
    nimg, n, nc = classes.shape
    cls_t = jnp.transpose(classes, (0, 2, 1))
    blk = 2048
    conf, cid = pl.pallas_call(
        _conf_kernel,
        grid=(pl.cdiv(n, blk),),
        in_specs=[pl.BlockSpec((nimg, nc, blk), lambda i: (0, 0, i))],
        out_specs=[pl.BlockSpec((nimg, blk), lambda i: (0, i)),
                   pl.BlockSpec((nimg, blk), lambda i: (0, i))],
        out_shape=[jax.ShapeDtypeStruct((nimg, n), jnp.float32),
                   jax.ShapeDtypeStruct((nimg, n), jnp.int32)],
    )(cls_t)
    return conf, cid


def _run_compact(conf, bx_t, cid):
    BUF = CHUNK + 16
    f32 = jnp.float32
    i32 = jnp.int32
    outs = pl.kernel(
        _sc_compact_kernel,
        out_type=[jax.ShapeDtypeStruct((NIMG * TIER,), f32),
                  jax.ShapeDtypeStruct((NIMG * TIER,), f32),
                  jax.ShapeDtypeStruct((NIMG * TIER,), f32),
                  jax.ShapeDtypeStruct((NIMG * TIER,), f32),
                  jax.ShapeDtypeStruct((NIMG * TIER,), f32),
                  jax.ShapeDtypeStruct((NIMG * TIER,), i32),
                  jax.ShapeDtypeStruct((NIMG * TIER,), i32),
                  jax.ShapeDtypeStruct((NWORK * 16,), i32)],
        mesh=plsc.VectorSubcoreMesh(core_axis_name="c", subcore_axis_name="s"),
        compiler_params=pltpu.CompilerParams(needs_layout_passes=False),
        scratch_types=[pltpu.VMEM((BUF,), f32),
                       pltpu.VMEM((BUF,), f32),
                       pltpu.VMEM((BUF,), f32),
                       pltpu.VMEM((BUF,), f32),
                       pltpu.VMEM((BUF,), f32),
                       pltpu.VMEM((BUF,), i32),
                       pltpu.VMEM((BUF + 16,), f32),
                       pltpu.VMEM((BUF + 16,), i32),
                       pltpu.VMEM((QUOTA,), f32),
                       pltpu.VMEM((QUOTA,), f32),
                       pltpu.VMEM((QUOTA,), f32),
                       pltpu.VMEM((QUOTA,), f32),
                       pltpu.VMEM((QUOTA,), i32),
                       pltpu.VMEM((QUOTA,), i32),
                       pltpu.VMEM((16,), i32)],
    )(conf.reshape(-1), bx_t.reshape(-1), cid.reshape(-1))
    sco, y0o, x0o, y1o, x1o, cido, idxo, cnts = outs
    shp = (NIMG, TIER)
    return (sco.reshape(shp), y0o.reshape(shp), x0o.reshape(shp),
            y1o.reshape(shp), x1o.reshape(shp), cido.reshape(shp),
            idxo.reshape(shp), cnts.reshape(NWORK, 16))


def kernel(boxes, classes):
    conf, cid = _run_conf(classes)
    bx_t = jnp.transpose(boxes, (0, 2, 1))
    sc, y0c, x0c, y1c, x1c, cidc, idxc, cnts = _run_compact(conf, bx_t, cid)
    wcnt = cnts.reshape(NIMG, WPI * 16)

    outs = pl.pallas_call(
        _nms_kernel,
        out_shape=[jax.ShapeDtypeStruct((NIMG, MAXDET), jnp.int32),
                   jax.ShapeDtypeStruct((NIMG, MAXDET), jnp.float32),
                   jax.ShapeDtypeStruct((NIMG, MAXDET), jnp.int32),
                   jax.ShapeDtypeStruct((NIMG, MAXDET), jnp.float32),
                   jax.ShapeDtypeStruct((NIMG, MAXDET), jnp.float32),
                   jax.ShapeDtypeStruct((NIMG, MAXDET), jnp.float32),
                   jax.ShapeDtypeStruct((NIMG, MAXDET), jnp.float32),
                   jax.ShapeDtypeStruct((NIMG, 1), jnp.int32)],
        scratch_shapes=[pltpu.VMEM((NIMG, NBOX), jnp.float32)],
    )(conf, bx_t, cid,
      sc, y0c, x0c, y1c, x1c, cidc, idxc, wcnt)
    sel, confp, cidp, by0, bx0, by1, bx1, nv = outs
    box_prediction = jnp.stack([by0, bx0, by1, bx1], axis=-1)
    return box_prediction, confp, cidp, nv[:, 0]

# --- scband reference (transcript-rebuilt; emitter-appended) ---
"""Pipeline reference for scband-non-max-suppression-2662879724404 (READ-ONLY COPY).

The authoritative reference and input builder live on the scoring server;
editing this copy changes nothing except your own understanding.
"""

import jax, jax.numpy as jnp
import numpy as np
from jax import lax

IOU_THRESHOLD = 0.5
SCORE_THRESHOLD = 0.5
MAX_DETECTIONS = 100


def setup_inputs(seed: int = 0) -> dict:
    key = jax.random.key(seed)
    k1, k2 = jax.random.split(key)
    boxes = jax.random.uniform(k1, (8, 20000, 4), dtype=jnp.float32)
    classes = jax.random.uniform(k2, (8, 20000, 80), dtype=jnp.float32)
    return {"boxes": boxes, "classes": classes}


def _iou_one_vs_all(box, boxes):
    # TF's NMS kernel canonicalizes corner ordering before computing IoU
    ymin1 = jnp.minimum(box[0], box[2]); ymax1 = jnp.maximum(box[0], box[2])
    xmin1 = jnp.minimum(box[1], box[3]); xmax1 = jnp.maximum(box[1], box[3])
    ymin = jnp.minimum(boxes[:, 0], boxes[:, 2]); ymax = jnp.maximum(boxes[:, 0], boxes[:, 2])
    xmin = jnp.minimum(boxes[:, 1], boxes[:, 3]); xmax = jnp.maximum(boxes[:, 1], boxes[:, 3])
    inter_h = jnp.maximum(0.0, jnp.minimum(ymax1, ymax) - jnp.maximum(ymin1, ymin))
    inter_w = jnp.maximum(0.0, jnp.minimum(xmax1, xmax) - jnp.maximum(xmin1, xmin))
    inter = inter_h * inter_w
    area1 = (ymax1 - ymin1) * (xmax1 - xmin1)
    area = (ymax - ymin) * (xmax - xmin)
    union = area1 + area - inter
    return jnp.where(union > 0, inter / union, 0.0)


def _nms_single(boxes, scores):
    neg_inf = jnp.float32(-jnp.inf)
    work0 = jnp.where(scores >= SCORE_THRESHOLD, scores, neg_inf)

    def body(i, state):
        work, sel, nvalid = state
        best = jnp.argmax(work)
        best_score = work[best]
        is_valid = best_score > neg_inf
        sel = sel.at[i].set(jnp.where(is_valid, best.astype(jnp.int32), jnp.int32(0)))
        nvalid = nvalid + is_valid.astype(jnp.int32)
        ious = _iou_one_vs_all(boxes[best], boxes)
        suppress = (ious > IOU_THRESHOLD) & is_valid
        work = jnp.where(suppress, neg_inf, work)
        work = work.at[best].set(neg_inf)
        return work, sel, nvalid

    init = (work0, jnp.zeros((MAX_DETECTIONS,), jnp.int32), jnp.int32(0))
    _, sel, nvalid = lax.fori_loop(0, MAX_DETECTIONS, body, init)
    return sel, nvalid


def reference(boxes, classes):
    # confidence = max class score per box
    confidence = jnp.max(classes, axis=-1)
    # padded greedy NMS per image (faithful to tf.image.non_max_suppression_padded,
    # pad_to_max_output_size=True, sorted_input=False -> greedy by score)
    idx, valid_det = jax.vmap(_nms_single)(boxes, confidence)
    box_prediction = jnp.take_along_axis(boxes, idx[..., None], axis=1)
    box_prediction = box_prediction.reshape(-1, MAX_DETECTIONS, 4)
    confidence_prediction = jnp.take_along_axis(confidence, idx, axis=1)
    class_prediction = jnp.take_along_axis(classes, idx[..., None], axis=1)
    class_ids = jnp.argmax(class_prediction, axis=-1)
    # dict output of the layer returned as a tuple:
    # (boxes, confidence, classes, num_detections)
    return box_prediction, confidence_prediction, class_ids, valid_det

if __name__ == "__main__":
    import jax
    _d = setup_inputs()
    print(jax.jit(kernel)(*tuple(_d.values())))

</pallas_src>

<mosaic_0001>
#map = affine_map<(d0, d1) -> (0)>
module attributes {stable_mosaic.version = 14 : i64} {
  func.func @_sc_compact_kernel(%arg0: i32, %arg1: i32, %arg2: memref<160000xf32, #tpu.memory_space<hbm>>, %arg3: memref<640000xf32, #tpu.memory_space<hbm>>, %arg4: memref<160000xi32, #tpu.memory_space<hbm>>, %arg5: memref<12288xf32, #tpu.memory_space<hbm>>, %arg6: memref<12288xf32, #tpu.memory_space<hbm>>, %arg7: memref<12288xf32, #tpu.memory_space<hbm>>, %arg8: memref<12288xf32, #tpu.memory_space<hbm>>, %arg9: memref<12288xf32, #tpu.memory_space<hbm>>, %arg10: memref<12288xi32, #tpu.memory_space<hbm>>, %arg11: memref<12288xi32, #tpu.memory_space<hbm>>, %arg12: memref<512xi32, #tpu.memory_space<hbm>>, %arg13: memref<5016xf32, #tpu.memory_space<vmem>>, %arg14: memref<5016xf32, #tpu.memory_space<vmem>>, %arg15: memref<5016xf32, #tpu.memory_space<vmem>>, %arg16: memref<5016xf32, #tpu.memory_space<vmem>>, %arg17: memref<5016xf32, #tpu.memory_space<vmem>>, %arg18: memref<5016xi32, #tpu.memory_space<vmem>>, %arg19: memref<5032xf32, #tpu.memory_space<vmem>>, %arg20: memref<5032xi32, #tpu.memory_space<vmem>>, %arg21: memref<384xf32, #tpu.memory_space<vmem>>, %arg22: memref<384xf32, #tpu.memory_space<vmem>>, %arg23: memref<384xf32, #tpu.memory_space<vmem>>, %arg24: memref<384xf32, #tpu.memory_space<vmem>>, %arg25: memref<384xi32, #tpu.memory_space<vmem>>, %arg26: memref<384xi32, #tpu.memory_space<vmem>>, %arg27: memref<16xi32, #tpu.memory_space<vmem>>) attributes {dimension_semantics = [#tpu.dimension_semantics<core_parallel>, #tpu.dimension_semantics<subcore_parallel>], iteration_bounds = array<i64: 2, 16>, scalar_prefetch = 0 : i64, scratch_operands = 15 : i64, tpu.core_type = #tpu.core_type<sc_vector_subcore>, window_params = [{transform_indices = #map}, {transform_indices = #map}, {transform_indices = #map}, {transform_indices = #map}, {transform_indices = #map}, {transform_indices = #map}, {transform_indices = #map}, {transform_indices = #map}, {transform_indices = #map}, {transform_indices = #map}, {transform_indices = #map}]} {
    %mul3A = arith.constant 2 : i32
    %mul3A_0 = arith.muli %arg1, %mul3A : i32
    %add3A = arith.addi %mul3A_0, %arg0 : i32
    %jit3A = arith.constant 4 : i32
    %div3A = arith.divsi %add3A, %jit3A : i32
    %sign3A = arith.constant 0 : i32
    %sign3A_1 = arith.cmpi sgt, %add3A, %sign3A : i32
    %sign3A_2 = arith.extui %sign3A_1 : i1 to i32
    %sign3A_3 = arith.constant 0 : i32
    %sign3A_4 = arith.cmpi slt, %add3A, %sign3A_3 : i32
    %sign3A_5 = arith.extui %sign3A_4 : i1 to i32
    %sign3A_6 = arith.subi %sign3A_2, %sign3A_5 : i32
    %sign3A_7 = arith.constant 0 : i32
    %sign3A_8 = arith.cmpi sgt, %jit3A, %sign3A_7 : i32
    %sign3A_9 = arith.extui %sign3A_8 : i1 to i32
    %sign3A_10 = arith.constant 0 : i32
    %sign3A_11 = arith.cmpi slt, %jit3A, %sign3A_10 : i32
    %sign3A_12 = arith.extui %sign3A_11 : i1 to i32
    %sign3A_13 = arith.subi %sign3A_9, %sign3A_12 : i32
    %ne3A = arith.cmpi ne, %sign3A_6, %sign3A_13 : i32
    %rem3A = arith.remsi %add3A, %jit3A : i32
    %ne3A_14 = arith.constant 0 : i32
    %ne3A_15 = arith.cmpi ne, %rem3A, %ne3A_14 : i32
    %and3A = arith.andi %ne3A, %ne3A_15 : i1
    %sub3A = arith.constant 1 : i32
    %sub3A_16 = arith.subi %div3A, %sub3A : i32
    %select_n3A = arith.select %and3A, %sub3A_16, %div3A : i32
    %jit3A_17 = arith.constant 4 : i32
    %eq3A = arith.constant 0 : i32
    %eq3A_18 = arith.cmpi eq, %jit3A_17, %eq3A : i32
    %jit3A_19 = arith.constant 1 : i32
    %select_n3A_20 = arith.select %eq3A_18, %jit3A_19, %jit3A_17 : i32
    %rem3A_21 = arith.remsi %add3A, %select_n3A_20 : i32
    %ne3A_22 = arith.constant 0 : i32
    %ne3A_23 = arith.cmpi ne, %rem3A_21, %ne3A_22 : i32
    %lt3A = arith.constant 0 : i32
    %lt3A_24 = arith.cmpi slt, %rem3A_21, %lt3A : i32
    %lt3A_25 = arith.constant 0 : i32
    %lt3A_26 = arith.cmpi slt, %select_n3A_20, %lt3A_25 : i32
    %ne3A_27 = arith.xori %lt3A_24, %lt3A_26 : i1
    %and3A_28 = arith.andi %ne3A_27, %ne3A_23 : i1
    %add3A_29 = arith.addi %rem3A_21, %select_n3A_20 : i32
    %select_n3A_30 = arith.select %and3A_28, %add3A_29, %rem3A_21 : i32
    %mul3A_31 = arith.constant 20000 : i32
    %mul3A_32 = arith.muli %select_n3A, %mul3A_31 : i32
    %mul3A_33 = arith.constant 5000 : i32
    %mul3A_34 = arith.muli %select_n3A_30, %mul3A_33 : i32
    %add3A_35 = arith.addi %mul3A_32, %mul3A_34 : i32
    %mul3A_36 = arith.constant 80000 : i32
    %mul3A_37 = arith.muli %select_n3A, %mul3A_36 : i32
    %mul3A_38 = arith.constant 5000 : i32
    %mul3A_39 = arith.muli %select_n3A_30, %mul3A_38 : i32
    %add3A_40 = arith.addi %mul3A_37, %mul3A_39 : i32
    "tpu.region"() ({
      %run_scoped3A = tpu.sem_alloc : memref<!tpu.dma_semaphore, #tpu.memory_space<semaphore_mem>>
      %dma_start3A = arith.constant 0 : i32
      %dma_start3A_85 = tpu.memref_slice %arg13[%dma_start3A] : memref<5016xf32, #tpu.memory_space<vmem>> -> memref<5000xf32, #tpu.memory_space<vmem>>
      %dma_start3A_86 = tpu.memref_slice %arg2[%add3A_35] : memref<160000xf32, #tpu.memory_space<hbm>> -> memref<5000xf32, #tpu.memory_space<hbm>>
      %dma_start3A_87 = arith.constant 0 : i32
      %dma_start3A_88 = tpu.memref_slice %arg13[%dma_start3A_87] : memref<5016xf32, #tpu.memory_space<vmem>> -> memref<5000xf32, #tpu.memory_space<vmem>>
      %dma_start3A_89 = tpu.memref_slice %arg2[%add3A_35] : memref<160000xf32, #tpu.memory_space<hbm>> -> memref<5000xf32, #tpu.memory_space<hbm>>
      tpu.enqueue_dma source(%dma_start3A_89 : memref<5000xf32, #tpu.memory_space<hbm>>) target(%dma_start3A_88 : memref<5000xf32, #tpu.memory_space<vmem>>) target_semaphore(%run_scoped3A : memref<!tpu.dma_semaphore, #tpu.memory_space<semaphore_mem>>)
      %dma_wait3A = arith.constant 0 : i32
      %dma_wait3A_90 = tpu.memref_slice %arg13[%dma_wait3A] : memref<5016xf32, #tpu.memory_space<vmem>> -> memref<5000xf32, #tpu.memory_space<vmem>>
      %dma_wait3A_91 = tpu.memref_slice %arg2[%add3A_35] : memref<160000xf32, #tpu.memory_space<hbm>> -> memref<5000xf32, #tpu.memory_space<hbm>>
      %dma_wait3A_92 = arith.constant 0 : i32
      %dma_wait3A_93 = tpu.memref_slice %arg13[%dma_wait3A_92] : memref<5016xf32, #tpu.memory_space<vmem>> -> memref<5000xf32, #tpu.memory_space<vmem>>
      %dma_wait3A_94 = tpu.memref_slice %arg2[%add3A_35] : memref<160000xf32, #tpu.memory_space<hbm>> -> memref<5000xf32, #tpu.memory_space<hbm>>
      tpu.wait_dma2 semaphore(%run_scoped3A : memref<!tpu.dma_semaphore, #tpu.memory_space<semaphore_mem>>) src(%dma_wait3A_94 : memref<5000xf32, #tpu.memory_space<hbm>>) dst(%dma_wait3A_93 : memref<5000xf32, #tpu.memory_space<vmem>>)
      tpu.yield
    }) : () -> ()
    "tpu.region"() ({
      %run_scoped3A = tpu.sem_alloc : memref<!tpu.dma_semaphore, #tpu.memory_space<semaphore_mem>>
      %dma_start3A = arith.constant 0 : i32
      %dma_start3A_85 = tpu.memref_slice %arg14[%dma_start3A] : memref<5016xf32, #tpu.memory_space<vmem>> -> memref<5000xf32, #tpu.memory_space<vmem>>
      %dma_start3A_86 = tpu.memref_slice %arg3[%add3A_40] : memref<640000xf32, #tpu.memory_space<hbm>> -> memref<5000xf32, #tpu.memory_space<hbm>>
      %dma_start3A_87 = arith.constant 0 : i32
      %dma_start3A_88 = tpu.memref_slice %arg14[%dma_start3A_87] : memref<5016xf32, #tpu.memory_space<vmem>> -> memref<5000xf32, #tpu.memory_space<vmem>>
      %dma_start3A_89 = tpu.memref_slice %arg3[%add3A_40] : memref<640000xf32, #tpu.memory_space<hbm>> -> memref<5000xf32, #tpu.memory_space<hbm>>
      tpu.enqueue_dma source(%dma_start3A_89 : memref<5000xf32, #tpu.memory_space<hbm>>) target(%dma_start3A_88 : memref<5000xf32, #tpu.memory_space<vmem>>) target_semaphore(%run_scoped3A : memref<!tpu.dma_semaphore, #tpu.memory_space<semaphore_mem>>)
      %dma_wait3A = arith.constant 0 : i32
      %dma_wait3A_90 = tpu.memref_slice %arg14[%dma_wait3A] : memref<5016xf32, #tpu.memory_space<vmem>> -> memref<5000xf32, #tpu.memory_space<vmem>>
      %dma_wait3A_91 = tpu.memref_slice %arg3[%add3A_40] : memref<640000xf32, #tpu.memory_space<hbm>> -> memref<5000xf32, #tpu.memory_space<hbm>>
      %dma_wait3A_92 = arith.constant 0 : i32
      %dma_wait3A_93 = tpu.memref_slice %arg14[%dma_wait3A_92] : memref<5016xf32, #tpu.memory_space<vmem>> -> memref<5000xf32, #tpu.memory_space<vmem>>
      %dma_wait3A_94 = tpu.memref_slice %arg3[%add3A_40] : memref<640000xf32, #tpu.memory_space<hbm>> -> memref<5000xf32, #tpu.memory_space<hbm>>
      tpu.wait_dma2 semaphore(%run_scoped3A : memref<!tpu.dma_semaphore, #tpu.memory_space<semaphore_mem>>) src(%dma_wait3A_94 : memref<5000xf32, #tpu.memory_space<hbm>>) dst(%dma_wait3A_93 : memref<5000xf32, #tpu.memory_space<vmem>>)
      tpu.yield
    }) : () -> ()
    %add3A_41 = arith.constant 20000 : i32
    %add3A_42 = arith.addi %add3A_40, %add3A_41 : i32
    "tpu.region"() ({
      %run_scoped3A = tpu.sem_alloc : memref<!tpu.dma_semaphore, #tpu.memory_space<semaphore_mem>>
      %dma_start3A = arith.constant 0 : i32
      %dma_start3A_85 = tpu.memref_slice %arg15[%dma_start3A] : memref<5016xf32, #tpu.memory_space<vmem>> -> memref<5000xf32, #tpu.memory_space<vmem>>
      %dma_start3A_86 = tpu.memref_slice %arg3[%add3A_42] : memref<640000xf32, #tpu.memory_space<hbm>> -> memref<5000xf32, #tpu.memory_space<hbm>>
      %dma_start3A_87 = arith.constant 0 : i32
      %dma_start3A_88 = tpu.memref_slice %arg15[%dma_start3A_87] : memref<5016xf32, #tpu.memory_space<vmem>> -> memref<5000xf32, #tpu.memory_space<vmem>>
      %dma_start3A_89 = tpu.memref_slice %arg3[%add3A_42] : memref<640000xf32, #tpu.memory_space<hbm>> -> memref<5000xf32, #tpu.memory_space<hbm>>
      tpu.enqueue_dma source(%dma_start3A_89 : memref<5000xf32, #tpu.memory_space<hbm>>) target(%dma_start3A_88 : memref<5000xf32, #tpu.memory_space<vmem>>) target_semaphore(%run_scoped3A : memref<!tpu.dma_semaphore, #tpu.memory_space<semaphore_mem>>)
      %dma_wait3A = arith.constant 0 : i32
      %dma_wait3A_90 = tpu.memref_slice %arg15[%dma_wait3A] : memref<5016xf32, #tpu.memory_space<vmem>> -> memref<5000xf32, #tpu.memory_space<vmem>>
      %dma_wait3A_91 = tpu.memref_slice %arg3[%add3A_42] : memref<640000xf32, #tpu.memory_space<hbm>> -> memref<5000xf32, #tpu.memory_space<hbm>>
      %dma_wait3A_92 = arith.constant 0 : i32
      %dma_wait3A_93 = tpu.memref_slice %arg15[%dma_wait3A_92] : memref<5016xf32, #tpu.memory_space<vmem>> -> memref<5000xf32, #tpu.memory_space<vmem>>
      %dma_wait3A_94 = tpu.memref_slice %arg3[%add3A_42] : memref<640000xf32, #tpu.memory_space<hbm>> -> memref<5000xf32, #tpu.memory_space<hbm>>
      tpu.wait_dma2 semaphore(%run_scoped3A : memref<!tpu.dma_semaphore, #tpu.memory_space<semaphore_mem>>) src(%dma_wait3A_94 : memref<5000xf32, #tpu.memory_space<hbm>>) dst(%dma_wait3A_93 : memref<5000xf32, #tpu.memory_space<vmem>>)
      tpu.yield
    }) : () -> ()
    %add3A_43 = arith.constant 40000 : i32
    %add3A_44 = arith.addi %add3A_40, %add3A_43 : i32
    "tpu.region"() ({
      %run_scoped3A = tpu.sem_alloc : memref<!tpu.dma_semaphore, #tpu.memory_space<semaphore_mem>>
      %dma_start3A = arith.constant 0 : i32
      %dma_start3A_85 = tpu.memref_slice %arg16[%dma_start3A] : memref<5016xf32, #tpu.memory_space<vmem>> -> memref<5000xf32, #tpu.memory_space<vmem>>
      %dma_start3A_86 = tpu.memref_slice %arg3[%add3A_44] : memref<640000xf32, #tpu.memory_space<hbm>> -> memref<5000xf32, #tpu.memory_space<hbm>>
      %dma_start3A_87 = arith.constant 0 : i32
      %dma_start3A_88 = tpu.memref_slice %arg16[%dma_start3A_87] : memref<5016xf32, #tpu.memory_space<vmem>> -> memref<5000xf32, #tpu.memory_space<vmem>>
      %dma_start3A_89 = tpu.memref_slice %arg3[%add3A_44] : memref<640000xf32, #tpu.memory_space<hbm>> -> memref<5000xf32, #tpu.memory_space<hbm>>
      tpu.enqueue_dma source(%dma_start3A_89 : memref<5000xf32, #tpu.memory_space<hbm>>) target(%dma_start3A_88 : memref<5000xf32, #tpu.memory_space<vmem>>) target_semaphore(%run_scoped3A : memref<!tpu.dma_semaphore, #tpu.memory_space<semaphore_mem>>)
      %dma_wait3A = arith.constant 0 : i32
      %dma_wait3A_90 = tpu.memref_slice %arg16[%dma_wait3A] : memref<5016xf32, #tpu.memory_space<vmem>> -> memref<5000xf32, #tpu.memory_space<vmem>>
      %dma_wait3A_91 = tpu.memref_slice %arg3[%add3A_44] : memref<640000xf32, #tpu.memory_space<hbm>> -> memref<5000xf32, #tpu.memory_space<hbm>>
      %dma_wait3A_92 = arith.constant 0 : i32
      %dma_wait3A_93 = tpu.memref_slice %arg16[%dma_wait3A_92] : memref<5016xf32, #tpu.memory_space<vmem>> -> memref<5000xf32, #tpu.memory_space<vmem>>
      %dma_wait3A_94 = tpu.memref_slice %arg3[%add3A_44] : memref<640000xf32, #tpu.memory_space<hbm>> -> memref<5000xf32, #tpu.memory_space<hbm>>
      tpu.wait_dma2 semaphore(%run_scoped3A : memref<!tpu.dma_semaphore, #tpu.memory_space<semaphore_mem>>) src(%dma_wait3A_94 : memref<5000xf32, #tpu.memory_space<hbm>>) dst(%dma_wait3A_93 : memref<5000xf32, #tpu.memory_space<vmem>>)
      tpu.yield
    }) : () -> ()
    %add3A_45 = arith.constant 60000 : i32
    %add3A_46 = arith.addi %add3A_40, %add3A_45 : i32
    "tpu.region"() ({
      %run_scoped3A = tpu.sem_alloc : memref<!tpu.dma_semaphore, #tpu.memory_space<semaphore_mem>>
      %dma_start3A = arith.constant 0 : i32
      %dma_start3A_85 = tpu.memref_slice %arg17[%dma_start3A] : memref<5016xf32, #tpu.memory_space<vmem>> -> memref<5000xf32, #tpu.memory_space<vmem>>
      %dma_start3A_86 = tpu.memref_slice %arg3[%add3A_46] : memref<640000xf32, #tpu.memory_space<hbm>> -> memref<5000xf32, #tpu.memory_space<hbm>>
      %dma_start3A_87 = arith.constant 0 : i32
      %dma_start3A_88 = tpu.memref_slice %arg17[%dma_start3A_87] : memref<5016xf32, #tpu.memory_space<vmem>> -> memref<5000xf32, #tpu.memory_space<vmem>>
      %dma_start3A_89 = tpu.memref_slice %arg3[%add3A_46] : memref<640000xf32, #tpu.memory_space<hbm>> -> memref<5000xf32, #tpu.memory_space<hbm>>
      tpu.enqueue_dma source(%dma_start3A_89 : memref<5000xf32, #tpu.memory_space<hbm>>) target(%dma_start3A_88 : memref<5000xf32, #tpu.memory_space<vmem>>) target_semaphore(%run_scoped3A : memref<!tpu.dma_semaphore, #tpu.memory_space<semaphore_mem>>)
      %dma_wait3A = arith.constant 0 : i32
      %dma_wait3A_90 = tpu.memref_slice %arg17[%dma_wait3A] : memref<5016xf32, #tpu.memory_space<vmem>> -> memref<5000xf32, #tpu.memory_space<vmem>>
      %dma_wait3A_91 = tpu.memref_slice %arg3[%add3A_46] : memref<640000xf32, #tpu.memory_space<hbm>> -> memref<5000xf32, #tpu.memory_space<hbm>>
      %dma_wait3A_92 = arith.constant 0 : i32
      %dma_wait3A_93 = tpu.memref_slice %arg17[%dma_wait3A_92] : memref<5016xf32, #tpu.memory_space<vmem>> -> memref<5000xf32, #tpu.memory_space<vmem>>
      %dma_wait3A_94 = tpu.memref_slice %arg3[%add3A_46] : memref<640000xf32, #tpu.memory_space<hbm>> -> memref<5000xf32, #tpu.memory_space<hbm>>
      tpu.wait_dma2 semaphore(%run_scoped3A : memref<!tpu.dma_semaphore, #tpu.memory_space<semaphore_mem>>) src(%dma_wait3A_94 : memref<5000xf32, #tpu.memory_space<hbm>>) dst(%dma_wait3A_93 : memref<5000xf32, #tpu.memory_space<vmem>>)
      tpu.yield
    }) : () -> ()
    "tpu.region"() ({
      %run_scoped3A = tpu.sem_alloc : memref<!tpu.dma_semaphore, #tpu.memory_space<semaphore_mem>>
      %dma_start3A = arith.constant 0 : i32
      %dma_start3A_85 = tpu.memref_slice %arg18[%dma_start3A] : memref<5016xi32, #tpu.memory_space<vmem>> -> memref<5000xi32, #tpu.memory_space<vmem>>
      %dma_start3A_86 = tpu.memref_slice %arg4[%add3A_35] : memref<160000xi32, #tpu.memory_space<hbm>> -> memref<5000xi32, #tpu.memory_space<hbm>>
      %dma_start3A_87 = arith.constant 0 : i32
      %dma_start3A_88 = tpu.memref_slice %arg18[%dma_start3A_87] : memref<5016xi32, #tpu.memory_space<vmem>> -> memref<5000xi32, #tpu.memory_space<vmem>>
      %dma_start3A_89 = tpu.memref_slice %arg4[%add3A_35] : memref<160000xi32, #tpu.memory_space<hbm>> -> memref<5000xi32, #tpu.memory_space<hbm>>
      tpu.enqueue_dma source(%dma_start3A_89 : memref<5000xi32, #tpu.memory_space<hbm>>) target(%dma_start3A_88 : memref<5000xi32, #tpu.memory_space<vmem>>) target_semaphore(%run_scoped3A : memref<!tpu.dma_semaphore, #tpu.memory_space<semaphore_mem>>)
      %dma_wait3A = arith.constant 0 : i32
      %dma_wait3A_90 = tpu.memref_slice %arg18[%dma_wait3A] : memref<5016xi32, #tpu.memory_space<vmem>> -> memref<5000xi32, #tpu.memory_space<vmem>>
      %dma_wait3A_91 = tpu.memref_slice %arg4[%add3A_35] : memref<160000xi32, #tpu.memory_space<hbm>> -> memref<5000xi32, #tpu.memory_space<hbm>>
      %dma_wait3A_92 = arith.constant 0 : i32
      %dma_wait3A_93 = tpu.memref_slice %arg18[%dma_wait3A_92] : memref<5016xi32, #tpu.memory_space<vmem>> -> memref<5000xi32, #tpu.memory_space<vmem>>
      %dma_wait3A_94 = tpu.memref_slice %arg4[%add3A_35] : memref<160000xi32, #tpu.memory_space<hbm>> -> memref<5000xi32, #tpu.memory_space<hbm>>
      tpu.wait_dma2 semaphore(%run_scoped3A : memref<!tpu.dma_semaphore, #tpu.memory_space<semaphore_mem>>) src(%dma_wait3A_94 : memref<5000xi32, #tpu.memory_space<hbm>>) dst(%dma_wait3A_93 : memref<5000xi32, #tpu.memory_space<vmem>>)
      tpu.yield
    }) : () -> ()
    %iota3A = tpu.iota {dimensions = array<i32: 0>} : vector<16xi32>
    %scan3A = arith.constant 0 : i32
    %scan3A_47 = arith.constant 0 : i32
    %scan3A_48 = arith.constant 25 : i32
    %scan3A_49 = arith.addi %scan3A_47, %scan3A_48 : i32
    %scan3A_50 = arith.constant 1 : i32
    %scan3A_51 = scf.for %scan3A_85 = %scan3A_47 to %scan3A_49 step %scan3A_50 iter_args(%scan3A_86 = %scan3A) -> (i32)  : i32 {
      %broadcast_in_dim3A_87 = arith.constant 0xFF800000 : f32
      %broadcast_in_dim3A_88 = vector.broadcast %broadcast_in_dim3A_87 : f32 to vector<16xf32>
      %mul3A_89 = arith.constant 16 : i32
      %mul3A_90 = arith.muli %scan3A_85, %mul3A_89 : i32
      %swap3A_91 = arith.index_cast %mul3A_90 : i32 to index
      %swap3A_92 = tpu.vector_load %arg19[%swap3A_91] {strides = array<i32>} : memref<5032xf32, #tpu.memory_space<vmem>>, vector<16xf32>,
      tpu.vector_store %arg19[%swap3A_91], %broadcast_in_dim3A_88 {strides = array<i32>} : memref<5032xf32, #tpu.memory_space<vmem>>, vector<16xf32>,
      %broadcast_in_dim3A_93 = arith.constant 0 : i32
      %broadcast_in_dim3A_94 = vector.broadcast %broadcast_in_dim3A_93 : i32 to vector<16xi32>
      %mul3A_95 = arith.constant 16 : i32
      %mul3A_96 = arith.muli %scan3A_85, %mul3A_95 : i32
      %swap3A_97 = arith.index_cast %mul3A_96 : i32 to index
      %swap3A_98 = tpu.vector_load %arg20[%swap3A_97] {strides = array<i32>} : memref<5032xi32, #tpu.memory_space<vmem>>, vector<16xi32>,
      tpu.vector_store %arg20[%swap3A_97], %broadcast_in_dim3A_94 {strides = array<i32>} : memref<5032xi32, #tpu.memory_space<vmem>>, vector<16xi32>,
      %scan3A_99 = arith.constant 0 : i32
      scf.yield %scan3A_99 : i32
    }
    %scan3A_52 = arith.constant 25 : i32
    %scan3A_53 = arith.constant 0 : i32
    %scan3A_54 = arith.constant 0 : i32
    %scan3A_55 = arith.constant 313 : i32
    %scan3A_56 = arith.addi %scan3A_54, %scan3A_55 : i32
    %scan3A_57 = arith.constant 1 : i32
    %scan3A_58 = scf.for %scan3A_85 = %scan3A_54 to %scan3A_56 step %scan3A_57 iter_args(%scan3A_86 = %scan3A_53) -> (i32)  : i32 {
      %mul3A_87 = arith.constant 16 : i32
      %mul3A_88 = arith.muli %scan3A_85, %mul3A_87 : i32
      %get3A = arith.index_cast %mul3A_88 : i32 to index
      %get3A_89 = tpu.vector_load %arg13[%get3A] {strides = array<i32>} : memref<5016xf32, #tpu.memory_space<vmem>>, vector<16xf32>,
      %add3A_90 = vector.broadcast %mul3A_88 : i32 to vector<16xi32>
      %add3A_91 = arith.addi %iota3A, %add3A_90 : vector<16xi32>
      %lt3A_92 = arith.constant 5000 : i32
      %lt3A_93 = vector.broadcast %lt3A_92 : i32 to vector<16xi32>
      %lt3A_94 = arith.cmpi slt, %add3A_91, %lt3A_93 : vector<16xi32>
      %ge3A = arith.constant 0.999343276 : f32
      %ge3A_95 = vector.broadcast %ge3A : f32 to vector<16xf32>
      %ge3A_96 = arith.cmpf oge, %get3A_89, %ge3A_95 : vector<16xf32>
      %and3A_97 = arith.andi %lt3A_94, %ge3A_96 : vector<16xi1>
      %convert_element_type3A = arith.extui %and3A_97 : vector<16xi1> to vector<16xi32>
      %broadcast_in_dim3A_98 = arith.constant true
      %broadcast_in_dim3A_99 = vector.broadcast %broadcast_in_dim3A_98 : i1 to vector<16xi1>
      %masked_cumsum3A = tpu.scan <sum>, %convert_element_type3A masked %broadcast_in_dim3A_99 : vector<16xi32>, vector<16xi1> -> vector<16xi32>
      %add3A_100 = vector.broadcast %scan3A_86 : i32 to vector<16xi32>
      %add3A_101 = arith.addi %add3A_100, %masked_cumsum3A : vector<16xi32>
      %sub3A_102 = arith.constant 1 : i32
      %sub3A_103 = vector.broadcast %sub3A_102 : i32 to vector<16xi32>
      %sub3A_104 = arith.subi %add3A_101, %sub3A_103 : vector<16xi32>
      tpu.vector_store_idx %arg19[%sub3A_104], %get3A_89 masked %and3A_97 : memref<5032xf32, #tpu.memory_space<vmem>>[vector<16xi32>], vector<16xf32>, vector<16xi1>
      tpu.vector_store_idx %arg20[%sub3A_104], %add3A_91 masked %and3A_97 : memref<5032xi32, #tpu.memory_space<vmem>>[vector<16xi32>], vector<16xi32>, vector<16xi1>
      %reduce_max3A = arith.constant true
      %reduce_max3A_105 = vector.broadcast %reduce_max3A : i1 to vector<16xi1>
      %reduce_max3A_106 = arith.constant -2147483648 : i32
      %reduce_max3A_107 = vector.broadcast %reduce_max3A_106 : i32 to vector<16xi32>
      %reduce_max3A_108 = arith.xori %masked_cumsum3A, %reduce_max3A_107 : vector<16xi32>
      %reduce_max3A_109 = tpu.scan <max>, %reduce_max3A_108 masked %reduce_max3A_105 : vector<16xi32>, vector<16xi1> -> vector<16xi32>
      %reduce_max3A_110 = arith.xori %reduce_max3A_109, %reduce_max3A_107 : vector<16xi32>
      %reduce_max3A_111 = vector.extract %reduce_max3A_110[15] : i32 from vector<16xi32>
      %add3A_112 = arith.addi %scan3A_86, %reduce_max3A_111 : i32
      scf.yield %add3A_112 : i32
    }
    %scan3A_59 = arith.constant 313 : i32
    %scan3A_60 = arith.constant 0 : i32
    %scan3A_61 = arith.constant 0 : i32
    %scan3A_62 = arith.constant 24 : i32
    %scan3A_63 = arith.addi %scan3A_61, %scan3A_62 : i32
    %scan3A_64 = arith.constant 1 : i32
    %scan3A_65 = scf.for %scan3A_85 = %scan3A_61 to %scan3A_63 step %scan3A_64 iter_args(%scan3A_86 = %scan3A_60) -> (i32)  : i32 {
      %mul3A_87 = arith.constant 16 : i32
      %mul3A_88 = arith.muli %scan3A_85, %mul3A_87 : i32
      %add3A_89 = vector.broadcast %mul3A_88 : i32 to vector<16xi32>
      %add3A_90 = arith.addi %iota3A, %add3A_89 : vector<16xi32>
      %get3A = arith.index_cast %mul3A_88 : i32 to index
      %get3A_91 = tpu.vector_load %arg19[%get3A] {strides = array<i32>} : memref<5032xf32, #tpu.memory_space<vmem>>, vector<16xf32>,
      %get3A_92 = arith.index_cast %mul3A_88 : i32 to index
      %get3A_93 = tpu.vector_load %arg20[%get3A_92] {strides = array<i32>} : memref<5032xi32, #tpu.memory_space<vmem>>, vector<16xi32>,
      %lt3A_94 = vector.broadcast %scan3A_58 : i32 to vector<16xi32>
      %lt3A_95 = arith.cmpi slt, %add3A_90, %lt3A_94 : vector<16xi32>
      %jit3A_96 = arith.constant 0xFF800000 : f32
      %broadcast_in_dim3A_97 = vector.broadcast %jit3A_96 : f32 to vector<16xf32>
      %select_n3A_98 = arith.select %lt3A_95, %get3A_91, %broadcast_in_dim3A_97 : vector<16xi1>, vector<16xf32>
      %swap3A_99 = arith.index_cast %mul3A_88 : i32 to index
      %swap3A_100 = tpu.vector_load %arg19[%swap3A_99] {strides = array<i32>} : memref<5032xf32, #tpu.memory_space<vmem>>, vector<16xf32>,
      tpu.vector_store %arg19[%swap3A_99], %select_n3A_98 {strides = array<i32>} : memref<5032xf32, #tpu.memory_space<vmem>>, vector<16xf32>,
      %lt3A_101 = vector.broadcast %scan3A_58 : i32 to vector<16xi32>
      %lt3A_102 = arith.cmpi slt, %add3A_90, %lt3A_101 : vector<16xi32>
      %jit3A_103 = arith.constant 0 : i32
      %broadcast_in_dim3A_104 = vector.broadcast %jit3A_103 : i32 to vector<16xi32>
      %select_n3A_105 = arith.select %lt3A_102, %get3A_93, %broadcast_in_dim3A_104 : vector<16xi1>, vector<16xi32>
      %swap3A_106 = arith.index_cast %mul3A_88 : i32 to index
      %swap3A_107 = tpu.vector_load %arg20[%swap3A_106] {strides = array<i32>} : memref<5032xi32, #tpu.memory_space<vmem>>, vector<16xi32>,
      tpu.vector_store %arg20[%swap3A_106], %select_n3A_105 {strides = array<i32>} : memref<5032xi32, #tpu.memory_space<vmem>>, vector<16xi32>,
      %scan3A_108 = arith.constant 0 : i32
      scf.yield %scan3A_108 : i32
    }
    %scan3A_66 = arith.constant 24 : i32
    %scan3A_67 = arith.constant 0 : i32
    %scan3A_68 = arith.constant 0 : i32
    %scan3A_69 = arith.constant 24 : i32
    %scan3A_70 = arith.addi %scan3A_68, %scan3A_69 : i32
    %scan3A_71 = arith.constant 1 : i32
    %scan3A_72 = scf.for %scan3A_85 = %scan3A_68 to %scan3A_70 step %scan3A_71 iter_args(%scan3A_86 = %scan3A_67) -> (i32)  : i32 {
      %mul3A_87 = arith.constant 16 : i32
      %mul3A_88 = arith.muli %scan3A_85, %mul3A_87 : i32
      %get3A = arith.index_cast %mul3A_88 : i32 to index
      %get3A_89 = tpu.vector_load %arg20[%get3A] {strides = array<i32>} : memref<5032xi32, #tpu.memory_space<vmem>>, vector<16xi32>,
      %gather3A = tpu.vector_load_idx %arg14[%get3A_89] : memref<5016xf32, #tpu.memory_space<vmem>>[vector<16xi32>], vector<16xf32>,
      %swap3A_90 = arith.index_cast %mul3A_88 : i32 to index
      %swap3A_91 = tpu.vector_load %arg21[%swap3A_90] {strides = array<i32>} : memref<384xf32, #tpu.memory_space<vmem>>, vector<16xf32>,
      tpu.vector_store %arg21[%swap3A_90], %gather3A {strides = array<i32>} : memref<384xf32, #tpu.memory_space<vmem>>, vector<16xf32>,
      %gather3A_92 = tpu.vector_load_idx %arg15[%get3A_89] : memref<5016xf32, #tpu.memory_space<vmem>>[vector<16xi32>], vector<16xf32>,
      %swap3A_93 = arith.index_cast %mul3A_88 : i32 to index
      %swap3A_94 = tpu.vector_load %arg22[%swap3A_93] {strides = array<i32>} : memref<384xf32, #tpu.memory_space<vmem>>, vector<16xf32>,
      tpu.vector_store %arg22[%swap3A_93], %gather3A_92 {strides = array<i32>} : memref<384xf32, #tpu.memory_space<vmem>>, vector<16xf32>,
      %gather3A_95 = tpu.vector_load_idx %arg16[%get3A_89] : memref<5016xf32, #tpu.memory_space<vmem>>[vector<16xi32>], vector<16xf32>,
      %swap3A_96 = arith.index_cast %mul3A_88 : i32 to index
      %swap3A_97 = tpu.vector_load %arg23[%swap3A_96] {strides = array<i32>} : memref<384xf32, #tpu.memory_space<vmem>>, vector<16xf32>,
      tpu.vector_store %arg23[%swap3A_96], %gather3A_95 {strides = array<i32>} : memref<384xf32, #tpu.memory_space<vmem>>, vector<16xf32>,
      %gather3A_98 = tpu.vector_load_idx %arg17[%get3A_89] : memref<5016xf32, #tpu.memory_space<vmem>>[vector<16xi32>], vector<16xf32>,
      %swap3A_99 = arith.index_cast %mul3A_88 : i32 to index
      %swap3A_100 = tpu.vector_load %arg24[%swap3A_99] {strides = array<i32>} : memref<384xf32, #tpu.memory_space<vmem>>, vector<16xf32>,
      tpu.vector_store %arg24[%swap3A_99], %gather3A_98 {strides = array<i32>} : memref<384xf32, #tpu.memory_space<vmem>>, vector<16xf32>,
      %gather3A_101 = tpu.vector_load_idx %arg18[%get3A_89] : memref<5016xi32, #tpu.memory_space<vmem>>[vector<16xi32>], vector<16xi32>,
      %swap3A_102 = arith.index_cast %mul3A_88 : i32 to index
      %swap3A_103 = tpu.vector_load %arg25[%swap3A_102] {strides = array<i32>} : memref<384xi32, #tpu.memory_space<vmem>>, vector<16xi32>,
      tpu.vector_store %arg25[%swap3A_102], %gather3A_101 {strides = array<i32>} : memref<384xi32, #tpu.memory_space<vmem>>, vector<16xi32>,
      %mul3A_104 = arith.constant 5000 : i32
      %mul3A_105 = arith.muli %select_n3A_30, %mul3A_104 : i32
      %add3A_106 = vector.broadcast %mul3A_105 : i32 to vector<16xi32>
      %add3A_107 = arith.addi %get3A_89, %add3A_106 : vector<16xi32>
      %swap3A_108 = arith.index_cast %mul3A_88 : i32 to index
      %swap3A_109 = tpu.vector_load %arg26[%swap3A_108] {strides = array<i32>} : memref<384xi32, #tpu.memory_space<vmem>>, vector<16xi32>,
      tpu.vector_store %arg26[%swap3A_108], %add3A_107 {strides = array<i32>} : memref<384xi32, #tpu.memory_space<vmem>>, vector<16xi32>,
      %scan3A_110 = arith.constant 0 : i32
      scf.yield %scan3A_110 : i32
    }
    %scan3A_73 = arith.constant 24 : i32
    %mul3A_74 = arith.constant 1536 : i32
    %mul3A_75 = arith.muli %select_n3A, %mul3A_74 : i32
    %mul3A_76 = arith.constant 384 : i32
    %mul3A_77 = arith.muli %select_n3A_30, %mul3A_76 : i32
    %add3A_78 = arith.addi %mul3A_75, %mul3A_77 : i32
    "tpu.region"() ({
      %run_scoped3A = tpu.sem_alloc : memref<!tpu.dma_semaphore, #tpu.memory_space<semaphore_mem>>
      %dma_start3A = arith.constant 0 : i32
      %dma_start3A_85 = tpu.memref_slice %arg19[%dma_start3A] : memref<5032xf32, #tpu.memory_space<vmem>> -> memref<384xf32, #tpu.memory_space<vmem>>
      %dma_start3A_86 = tpu.memref_slice %arg5[%add3A_78] : memref<12288xf32, #tpu.memory_space<hbm>> -> memref<384xf32, #tpu.memory_space<hbm>>
      %dma_start3A_87 = tpu.memref_slice %arg5[%add3A_78] : memref<12288xf32, #tpu.memory_space<hbm>> -> memref<384xf32, #tpu.memory_space<hbm>>
      %dma_start3A_88 = arith.constant 0 : i32
      %dma_start3A_89 = tpu.memref_slice %arg19[%dma_start3A_88] : memref<5032xf32, #tpu.memory_space<vmem>> -> memref<384xf32, #tpu.memory_space<vmem>>
      tpu.enqueue_dma source(%dma_start3A_89 : memref<384xf32, #tpu.memory_space<vmem>>) target(%dma_start3A_87 : memref<384xf32, #tpu.memory_space<hbm>>) target_semaphore(%run_scoped3A : memref<!tpu.dma_semaphore, #tpu.memory_space<semaphore_mem>>)
      %dma_wait3A = arith.constant 0 : i32
      %dma_wait3A_90 = tpu.memref_slice %arg19[%dma_wait3A] : memref<5032xf32, #tpu.memory_space<vmem>> -> memref<384xf32, #tpu.memory_space<vmem>>
      %dma_wait3A_91 = tpu.memref_slice %arg5[%add3A_78] : memref<12288xf32, #tpu.memory_space<hbm>> -> memref<384xf32, #tpu.memory_space<hbm>>
      %dma_wait3A_92 = tpu.memref_slice %arg5[%add3A_78] : memref<12288xf32, #tpu.memory_space<hbm>> -> memref<384xf32, #tpu.memory_space<hbm>>
      %dma_wait3A_93 = arith.constant 0 : i32
      %dma_wait3A_94 = tpu.memref_slice %arg19[%dma_wait3A_93] : memref<5032xf32, #tpu.memory_space<vmem>> -> memref<384xf32, #tpu.memory_space<vmem>>
      tpu.wait_dma2 semaphore(%run_scoped3A : memref<!tpu.dma_semaphore, #tpu.memory_space<semaphore_mem>>) src(%dma_wait3A_94 : memref<384xf32, #tpu.memory_space<vmem>>) dst(%dma_wait3A_92 : memref<384xf32, #tpu.memory_space<hbm>>)
      tpu.yield
    }) : () -> ()
    "tpu.region"() ({
      %run_scoped3A = tpu.sem_alloc : memref<!tpu.dma_semaphore, #tpu.memory_space<semaphore_mem>>
      %dma_start3A = tpu.memref_slice %arg6[%add3A_78] : memref<12288xf32, #tpu.memory_space<hbm>> -> memref<384xf32, #tpu.memory_space<hbm>>
      %dma_start3A_85 = tpu.memref_slice %arg6[%add3A_78] : memref<12288xf32, #tpu.memory_space<hbm>> -> memref<384xf32, #tpu.memory_space<hbm>>
      tpu.enqueue_dma source(%arg21 : memref<384xf32, #tpu.memory_space<vmem>>) target(%dma_start3A_85 : memref<384xf32, #tpu.memory_space<hbm>>) target_semaphore(%run_scoped3A : memref<!tpu.dma_semaphore, #tpu.memory_space<semaphore_mem>>)
      %dma_wait3A = tpu.memref_slice %arg6[%add3A_78] : memref<12288xf32, #tpu.memory_space<hbm>> -> memref<384xf32, #tpu.memory_space<hbm>>
      %dma_wait3A_86 = tpu.memref_slice %arg6[%add3A_78] : memref<12288xf32, #tpu.memory_space<hbm>> -> memref<384xf32, #tpu.memory_space<hbm>>
      tpu.wait_dma2 semaphore(%run_scoped3A : memref<!tpu.dma_semaphore, #tpu.memory_space<semaphore_mem>>) src(%arg21 : memref<384xf32, #tpu.memory_space<vmem>>) dst(%dma_wait3A_86 : memref<384xf32, #tpu.memory_space<hbm>>)
      tpu.yield
    }) : () -> ()
    "tpu.region"() ({
      %run_scoped3A = tpu.sem_alloc : memref<!tpu.dma_semaphore, #tpu.memory_space<semaphore_mem>>
      %dma_start3A = tpu.memref_slice %arg7[%add3A_78] : memref<12288xf32, #tpu.memory_space<hbm>> -> memref<384xf32, #tpu.memory_space<hbm>>
      %dma_start3A_85 = tpu.memref_slice %arg7[%add3A_78] : memref<12288xf32, #tpu.memory_space<hbm>> -> memref<384xf32, #tpu.memory_space<hbm>>
      tpu.enqueue_dma source(%arg22 : memref<384xf32, #tpu.memory_space<vmem>>) target(%dma_start3A_85 : memref<384xf32, #tpu.memory_space<hbm>>) target_semaphore(%run_scoped3A : memref<!tpu.dma_semaphore, #tpu.memory_space<semaphore_mem>>)
      %dma_wait3A = tpu.memref_slice %arg7[%add3A_78] : memref<12288xf32, #tpu.memory_space<hbm>> -> memref<384xf32, #tpu.memory_space<hbm>>
      %dma_wait3A_86 = tpu.memref_slice %arg7[%add3A_78] : memref<12288xf32, #tpu.memory_space<hbm>> -> memref<384xf32, #tpu.memory_space<hbm>>
      tpu.wait_dma2 semaphore(%run_scoped3A : memref<!tpu.dma_semaphore, #tpu.memory_space<semaphore_mem>>) src(%arg22 : memref<384xf32, #tpu.memory_space<vmem>>) dst(%dma_wait3A_86 : memref<384xf32, #tpu.memory_space<hbm>>)
      tpu.yield
    }) : () -> ()
    "tpu.region"() ({
      %run_scoped3A = tpu.sem_alloc : memref<!tpu.dma_semaphore, #tpu.memory_space<semaphore_mem>>
      %dma_start3A = tpu.memref_slice %arg8[%add3A_78] : memref<12288xf32, #tpu.memory_space<hbm>> -> memref<384xf32, #tpu.memory_space<hbm>>
      %dma_start3A_85 = tpu.memref_slice %arg8[%add3A_78] : memref<12288xf32, #tpu.memory_space<hbm>> -> memref<384xf32, #tpu.memory_space<hbm>>
      tpu.enqueue_dma source(%arg23 : memref<384xf32, #tpu.memory_space<vmem>>) target(%dma_start3A_85 : memref<384xf32, #tpu.memory_space<hbm>>) target_semaphore(%run_scoped3A : memref<!tpu.dma_semaphore, #tpu.memory_space<semaphore_mem>>)
      %dma_wait3A = tpu.memref_slice %arg8[%add3A_78] : memref<12288xf32, #tpu.memory_space<hbm>> -> memref<384xf32, #tpu.memory_space<hbm>>
      %dma_wait3A_86 = tpu.memref_slice %arg8[%add3A_78] : memref<12288xf32, #tpu.memory_space<hbm>> -> memref<384xf32, #tpu.memory_space<hbm>>
      tpu.wait_dma2 semaphore(%run_scoped3A : memref<!tpu.dma_semaphore, #tpu.memory_space<semaphore_mem>>) src(%arg23 : memref<384xf32, #tpu.memory_space<vmem>>) dst(%dma_wait3A_86 : memref<384xf32, #tpu.memory_space<hbm>>)
      tpu.yield
    }) : () -> ()
    "tpu.region"() ({
      %run_scoped3A = tpu.sem_alloc : memref<!tpu.dma_semaphore, #tpu.memory_space<semaphore_mem>>
      %dma_start3A = tpu.memref_slice %arg9[%add3A_78] : memref<12288xf32, #tpu.memory_space<hbm>> -> memref<384xf32, #tpu.memory_space<hbm>>
      %dma_start3A_85 = tpu.memref_slice %arg9[%add3A_78] : memref<12288xf32, #tpu.memory_space<hbm>> -> memref<384xf32, #tpu.memory_space<hbm>>
      tpu.enqueue_dma source(%arg24 : memref<384xf32, #tpu.memory_space<vmem>>) target(%dma_start3A_85 : memref<384xf32, #tpu.memory_space<hbm>>) target_semaphore(%run_scoped3A : memref<!tpu.dma_semaphore, #tpu.memory_space<semaphore_mem>>)
      %dma_wait3A = tpu.memref_slice %arg9[%add3A_78] : memref<12288xf32, #tpu.memory_space<hbm>> -> memref<384xf32, #tpu.memory_space<hbm>>
      %dma_wait3A_86 = tpu.memref_slice %arg9[%add3A_78] : memref<12288xf32, #tpu.memory_space<hbm>> -> memref<384xf32, #tpu.memory_space<hbm>>
      tpu.wait_dma2 semaphore(%run_scoped3A : memref<!tpu.dma_semaphore, #tpu.memory_space<semaphore_mem>>) src(%arg24 : memref<384xf32, #tpu.memory_space<vmem>>) dst(%dma_wait3A_86 : memref<384xf32, #tpu.memory_space<hbm>>)
      tpu.yield
    }) : () -> ()
    "tpu.region"() ({
      %run_scoped3A = tpu.sem_alloc : memref<!tpu.dma_semaphore, #tpu.memory_space<semaphore_mem>>
      %dma_start3A = tpu.memref_slice %arg10[%add3A_78] : memref<12288xi32, #tpu.memory_space<hbm>> -> memref<384xi32, #tpu.memory_space<hbm>>
      %dma_start3A_85 = tpu.memref_slice %arg10[%add3A_78] : memref<12288xi32, #tpu.memory_space<hbm>> -> memref<384xi32, #tpu.memory_space<hbm>>
      tpu.enqueue_dma source(%arg25 : memref<384xi32, #tpu.memory_space<vmem>>) target(%dma_start3A_85 : memref<384xi32, #tpu.memory_space<hbm>>) target_semaphore(%run_scoped3A : memref<!tpu.dma_semaphore, #tpu.memory_space<semaphore_mem>>)
      %dma_wait3A = tpu.memref_slice %arg10[%add3A_78] : memref<12288xi32, #tpu.memory_space<hbm>> -> memref<384xi32, #tpu.memory_space<hbm>>
      %dma_wait3A_86 = tpu.memref_slice %arg10[%add3A_78] : memref<12288xi32, #tpu.memory_space<hbm>> -> memref<384xi32, #tpu.memory_space<hbm>>
      tpu.wait_dma2 semaphore(%run_scoped3A : memref<!tpu.dma_semaphore, #tpu.memory_space<semaphore_mem>>) src(%arg25 : memref<384xi32, #tpu.memory_space<vmem>>) dst(%dma_wait3A_86 : memref<384xi32, #tpu.memory_space<hbm>>)
      tpu.yield
    }) : () -> ()
    "tpu.region"() ({
      %run_scoped3A = tpu.sem_alloc : memref<!tpu.dma_semaphore, #tpu.memory_space<semaphore_mem>>
      %dma_start3A = tpu.memref_slice %arg11[%add3A_78] : memref<12288xi32, #tpu.memory_space<hbm>> -> memref<384xi32, #tpu.memory_space<hbm>>
      %dma_start3A_85 = tpu.memref_slice %arg11[%add3A_78] : memref<12288xi32, #tpu.memory_space<hbm>> -> memref<384xi32, #tpu.memory_space<hbm>>
      tpu.enqueue_dma source(%arg26 : memref<384xi32, #tpu.memory_space<vmem>>) target(%dma_start3A_85 : memref<384xi32, #tpu.memory_space<hbm>>) target_semaphore(%run_scoped3A : memref<!tpu.dma_semaphore, #tpu.memory_space<semaphore_mem>>)
      %dma_wait3A = tpu.memref_slice %arg11[%add3A_78] : memref<12288xi32, #tpu.memory_space<hbm>> -> memref<384xi32, #tpu.memory_space<hbm>>
      %dma_wait3A_86 = tpu.memref_slice %arg11[%add3A_78] : memref<12288xi32, #tpu.memory_space<hbm>> -> memref<384xi32, #tpu.memory_space<hbm>>
      tpu.wait_dma2 semaphore(%run_scoped3A : memref<!tpu.dma_semaphore, #tpu.memory_space<semaphore_mem>>) src(%arg26 : memref<384xi32, #tpu.memory_space<vmem>>) dst(%dma_wait3A_86 : memref<384xi32, #tpu.memory_space<hbm>>)
      tpu.yield
    }) : () -> ()
    %broadcast_in_dim3A = arith.constant 0 : i32
    %broadcast_in_dim3A_79 = vector.broadcast %broadcast_in_dim3A : i32 to vector<16xi32>
    %add3A_80 = vector.broadcast %scan3A_58 : i32 to vector<16xi32>
    %add3A_81 = arith.addi %broadcast_in_dim3A_79, %add3A_80 : vector<16xi32>
    %swap3A = arith.constant 0 : index
    %swap3A_82 = tpu.vector_load %arg27[%swap3A] {strides = array<i32>} : memref<16xi32, #tpu.memory_space<vmem>>, vector<16xi32>,
    tpu.vector_store %arg27[%swap3A], %add3A_81 {strides = array<i32>} : memref<16xi32, #tpu.memory_space<vmem>>, vector<16xi32>,
    %mul3A_83 = arith.constant 16 : i32
    %mul3A_84 = arith.muli %add3A, %mul3A_83 : i32
    "tpu.region"() ({
      %run_scoped3A = tpu.sem_alloc : memref<!tpu.dma_semaphore, #tpu.memory_space<semaphore_mem>>
      %dma_start3A = tpu.memref_slice %arg12[%mul3A_84] : memref<512xi32, #tpu.memory_space<hbm>> -> memref<16xi32, #tpu.memory_space<hbm>>
      %dma_start3A_85 = tpu.memref_slice %arg12[%mul3A_84] : memref<512xi32, #tpu.memory_space<hbm>> -> memref<16xi32, #tpu.memory_space<hbm>>
      tpu.enqueue_dma source(%arg27 : memref<16xi32, #tpu.memory_space<vmem>>) target(%dma_start3A_85 : memref<16xi32, #tpu.memory_space<hbm>>) target_semaphore(%run_scoped3A : memref<!tpu.dma_semaphore, #tpu.memory_space<semaphore_mem>>)
      %dma_wait3A = tpu.memref_slice %arg12[%mul3A_84] : memref<512xi32, #tpu.memory_space<hbm>> -> memref<16xi32, #tpu.memory_space<hbm>>
      %dma_wait3A_86 = tpu.memref_slice %arg12[%mul3A_84] : memref<512xi32, #tpu.memory_space<hbm>> -> memref<16xi32, #tpu.memory_space<hbm>>
      tpu.wait_dma2 semaphore(%run_scoped3A : memref<!tpu.dma_semaphore, #tpu.memory_space<semaphore_mem>>) src(%arg27 : memref<16xi32, #tpu.memory_space<vmem>>) dst(%dma_wait3A_86 : memref<16xi32, #tpu.memory_space<hbm>>)
      tpu.yield
    }) : () -> ()
    return
  }
}

module attributes {stable_mosaic.version = 14 : i64} {
  func.func @_conf_kernel(%arg0: i32, %arg1: memref<8x80x2048xf32, #tpu.memory_space<vmem>>, %arg2: memref<8x2048xf32, #tpu.memory_space<vmem>>, %arg3: memref<8x2048xi32, #tpu.memory_space<vmem>>) attributes {dimension_semantics = [#tpu.dimension_semantics<arbitrary>], iteration_bounds = array<i64: 10>, scalar_prefetch = 0 : i64, scratch_operands = 0 : i64, tpu.core_type = #tpu.core_type<tc>, window_params = [{transform_indices = @transform_0, window_bounds = array<i64: 8, 80, 2048>}, {transform_indices = @transform_1, window_bounds = array<i64: 8, 2048>}, {transform_indices = @transform_2, window_bounds = array<i64: 8, 2048>}]} {
    %get3A = arith.constant 0 : index
    %get3A_0 = arith.constant 0 : index
    %get3A_1 = arith.constant 0 : index
    %get3A_2 = vector.load %arg1[%get3A, %get3A_0, %get3A_1] : memref<8x80x2048xf32, #tpu.memory_space<vmem>>, vector<8x80x2048xf32>
    %reduce_max3A = arith.constant dense<0xFF800000> : vector<8x2048xf32>
    %reduce_max3A_3 = vector.multi_reduction <maximumf>, %get3A_2, %reduce_max3A [1] : vector<8x80x2048xf32> to vector<8x2048xf32>
    %swap3A = arith.constant 0 : index
    %swap3A_4 = arith.constant 0 : index
    %swap3A_5 = vector.load %arg2[%swap3A, %swap3A_4] : memref<8x2048xf32, #tpu.memory_space<vmem>>, vector<8x2048xf32>
    tpu.vector_store %arg2[%swap3A, %swap3A_4], %reduce_max3A_3 {strides = array<i32>} : memref<8x2048xf32, #tpu.memory_space<vmem>>, vector<8x2048xf32>,
    %iota3A = tpu.iota {dimensions = array<i32: 1>} : vector<8x80x2048xi32>
    %broadcast_in_dim3A = vector.shape_cast %reduce_max3A_3 : vector<8x2048xf32> to vector<8x1x2048xf32>
    %eq3A = vector.broadcast %broadcast_in_dim3A : vector<8x1x2048xf32> to vector<8x80x2048xf32>
    %eq3A_6 = arith.cmpf oeq, %get3A_2, %eq3A : vector<8x80x2048xf32>
    %jit3A = arith.constant 80 : i32
    %broadcast_in_dim3A_7 = vector.broadcast %jit3A : i32 to vector<8x80x2048xi32>
    %select_n3A = arith.select %eq3A_6, %iota3A, %broadcast_in_dim3A_7 : vector<8x80x2048xi1>, vector<8x80x2048xi32>
    %reduce_min3A = arith.constant dense<2147483647> : vector<8x2048xi32>
    %reduce_min3A_8 = vector.multi_reduction <minsi>, %select_n3A, %reduce_min3A [1] : vector<8x80x2048xi32> to vector<8x2048xi32>
    %swap3A_9 = arith.constant 0 : index
    %swap3A_10 = arith.constant 0 : index
    %swap3A_11 = vector.load %arg3[%swap3A_9, %swap3A_10] : memref<8x2048xi32, #tpu.memory_space<vmem>>, vector<8x2048xi32>
    tpu.vector_store %arg3[%swap3A_9, %swap3A_10], %reduce_min3A_8 {strides = array<i32>} : memref<8x2048xi32, #tpu.memory_space<vmem>>, vector<8x2048xi32>,
    return
  }
  func.func @transform_0(%arg0: i32) -> (i32, i32, i32) {
    %c0_i32 = arith.constant 0 : i32
    %c0_i32_0 = arith.constant 0 : i32
    %c0_i32_1 = arith.constant 0 : i32
    return %c0_i32, %c0_i32_0, %arg0 : i32, i32, i32
  }
  func.func @transform_1(%arg0: i32) -> (i32, i32) {
    %c0_i32 = arith.constant 0 : i32
    %c0_i32_0 = arith.constant 0 : i32
    return %c0_i32, %arg0 : i32, i32
  }
  func.func @transform_2(%arg0: i32) -> (i32, i32) {
    %c0_i32 = arith.constant 0 : i32
    %c0_i32_0 = arith.constant 0 : i32
    return %c0_i32, %arg0 : i32, i32
  }
}

module attributes {stable_mosaic.version = 14 : i64} {
  func.func @_nms_kernel(%arg0: memref<8x20000xf32, #tpu.memory_space<vmem>>, %arg1: memref<8x4x20000xf32, #tpu.memory_space<vmem>>, %arg2: memref<8x20000xi32, #tpu.memory_space<vmem>>, %arg3: memref<8x1536xf32, #tpu.memory_space<vmem>>, %arg4: memref<8x1536xf32, #tpu.memory_space<vmem>>, %arg5: memref<8x1536xf32, #tpu.memory_space<vmem>>, %arg6: memref<8x1536xf32, #tpu.memory_space<vmem>>, %arg7: memref<8x1536xf32, #tpu.memory_space<vmem>>, %arg8: memref<8x1536xi32, #tpu.memory_space<vmem>>, %arg9: memref<8x1536xi32, #tpu.memory_space<vmem>>, %arg10: memref<8x64xi32, #tpu.memory_space<vmem>>, %arg11: memref<8x100xi32, #tpu.memory_space<vmem>>, %arg12: memref<8x100xf32, #tpu.memory_space<vmem>>, %arg13: memref<8x100xi32, #tpu.memory_space<vmem>>, %arg14: memref<8x100xf32, #tpu.memory_space<vmem>>, %arg15: memref<8x100xf32, #tpu.memory_space<vmem>>, %arg16: memref<8x100xf32, #tpu.memory_space<vmem>>, %arg17: memref<8x100xf32, #tpu.memory_space<vmem>>, %arg18: memref<8x1xi32, #tpu.memory_space<vmem>>, %arg19: memref<8x20000xf32, #tpu.memory_space<vmem>>) attributes {dimension_semantics = [], scalar_prefetch = 0 : i64, scratch_operands = 1 : i64, tpu.core_type = #tpu.core_type<tc>} {
    %iota3A = tpu.iota {dimensions = array<i32: 1>} : vector<8x128xi32>
    %get3A = arith.constant 0 : index
    %get3A_0 = arith.constant 0 : index
    %get3A_1 = vector.load %arg0[%get3A, %get3A_0] : memref<8x20000xf32, #tpu.memory_space<vmem>>, vector<8x1xf32>
    %get3A_2 = arith.constant 0 : index
    %get3A_3 = arith.constant 0 : index
    %get3A_4 = arith.constant 0 : index
    %get3A_5 = vector.load %arg1[%get3A_2, %get3A_3, %get3A_4] : memref<8x4x20000xf32, #tpu.memory_space<vmem>>, vector<8x4x1xf32>
    %slice3A = vector.extract_strided_slice %get3A_5 {offsets = [0, 0, 0], sizes = [8, 1, 1], strides = [1, 1, 1]} : vector<8x4x1xf32> to vector<8x1x1xf32>
    %squeeze3A = vector.shape_cast %slice3A : vector<8x1x1xf32> to vector<8x1xf32>
    %slice3A_6 = vector.extract_strided_slice %get3A_5 {offsets = [0, 1, 0], sizes = [8, 1, 1], strides = [1, 1, 1]} : vector<8x4x1xf32> to vector<8x1x1xf32>
    %squeeze3A_7 = vector.shape_cast %slice3A_6 : vector<8x1x1xf32> to vector<8x1xf32>
    %slice3A_8 = vector.extract_strided_slice %get3A_5 {offsets = [0, 2, 0], sizes = [8, 1, 1], strides = [1, 1, 1]} : vector<8x4x1xf32> to vector<8x1x1xf32>
    %squeeze3A_9 = vector.shape_cast %slice3A_8 : vector<8x1x1xf32> to vector<8x1xf32>
    %slice3A_10 = vector.extract_strided_slice %get3A_5 {offsets = [0, 3, 0], sizes = [8, 1, 1], strides = [1, 1, 1]} : vector<8x4x1xf32> to vector<8x1x1xf32>
    %squeeze3A_11 = vector.shape_cast %slice3A_10 : vector<8x1x1xf32> to vector<8x1xf32>
    %get3A_12 = arith.constant 0 : index
    %get3A_13 = arith.constant 0 : index
    %get3A_14 = vector.load %arg2[%get3A_12, %get3A_13] : memref<8x20000xi32, #tpu.memory_space<vmem>>, vector<8x1xi32>
    %broadcast_in_dim3A = arith.constant 0.000000e+00 : f32
    %broadcast_in_dim3A_15 = vector.broadcast %broadcast_in_dim3A : f32 to vector<8x128xf32>
    %broadcast_in_dim3A_16 = arith.constant 0 : i32
    %broadcast_in_dim3A_17 = vector.broadcast %broadcast_in_dim3A_16 : i32 to vector<8x128xi32>
    %get3A_18 = arith.constant 0 : index
    %get3A_19 = arith.constant 0 : index
    %get3A_20 = vector.load %arg9[%get3A_18, %get3A_19] : memref<8x1536xi32, #tpu.memory_space<vmem>>, vector<8x1536xi32>
    %get3A_21 = arith.constant 0 : index
    %get3A_22 = arith.constant 0 : index
    %get3A_23 = vector.load %arg4[%get3A_21, %get3A_22] : memref<8x1536xf32, #tpu.memory_space<vmem>>, vector<8x1536xf32>
    %get3A_24 = arith.constant 0 : index
    %get3A_25 = arith.constant 0 : index
    %get3A_26 = vector.load %arg5[%get3A_24, %get3A_25] : memref<8x1536xf32, #tpu.memory_space<vmem>>, vector<8x1536xf32>
    %get3A_27 = arith.constant 0 : index
    %get3A_28 = arith.constant 0 : index
    %get3A_29 = vector.load %arg6[%get3A_27, %get3A_28] : memref<8x1536xf32, #tpu.memory_space<vmem>>, vector<8x1536xf32>
    %get3A_30 = arith.constant 0 : index
    %get3A_31 = arith.constant 0 : index
    %get3A_32 = vector.load %arg7[%get3A_30, %get3A_31] : memref<8x1536xf32, #tpu.memory_space<vmem>>, vector<8x1536xf32>
    %get3A_33 = arith.constant 0 : index
    %get3A_34 = arith.constant 0 : index
    %get3A_35 = vector.load %arg8[%get3A_33, %get3A_34] : memref<8x1536xi32, #tpu.memory_space<vmem>>, vector<8x1536xi32>
    %min3A = arith.minimumf %get3A_23, %get3A_29 : vector<8x1536xf32>
    %max3A = arith.maximumf %get3A_23, %get3A_29 : vector<8x1536xf32>
    %min3A_36 = arith.minimumf %get3A_26, %get3A_32 : vector<8x1536xf32>
    %max3A_37 = arith.maximumf %get3A_26, %get3A_32 : vector<8x1536xf32>
    %sub3A = arith.subf %max3A, %min3A : vector<8x1536xf32>
    %sub3A_38 = arith.subf %max3A_37, %min3A_36 : vector<8x1536xf32>
    %mul3A = arith.mulf %sub3A, %sub3A_38 : vector<8x1536xf32>
    %get3A_39 = arith.constant 0 : index
    %get3A_40 = arith.constant 0 : index
    %get3A_41 = vector.load %arg3[%get3A_39, %get3A_40] : memref<8x1536xf32, #tpu.memory_space<vmem>>, vector<8x1536xf32>
    %scan3A = arith.constant 0 : i32
    %scan3A_42 = arith.constant 100 : i32
    %scan3A_43 = arith.addi %scan3A, %scan3A_42 : i32
    %scan3A_44 = arith.constant 1 : i32
    %scan3A_45:9 = scf.for %scan3A_114 = %scan3A to %scan3A_43 step %scan3A_44 iter_args(%scan3A_115 = %get3A_41, %scan3A_116 = %broadcast_in_dim3A_17, %scan3A_117 = %broadcast_in_dim3A_15, %scan3A_118 = %broadcast_in_dim3A_17, %scan3A_119 = %broadcast_in_dim3A_15, %scan3A_120 = %broadcast_in_dim3A_15, %scan3A_121 = %broadcast_in_dim3A_15, %scan3A_122 = %broadcast_in_dim3A_15, %scan3A_123 = %broadcast_in_dim3A_17) -> (vector<8x1536xf32>, vector<8x128xi32>, vector<8x128xf32>, vector<8x128xi32>, vector<8x128xf32>, vector<8x128xf32>, vector<8x128xf32>, vector<8x128xf32>, vector<8x128xi32>)  : i32 {
      %reduce_max3A_124 = arith.constant dense<0xFF800000> : vector<8xf32>
      %reduce_max3A_125 = vector.multi_reduction <maximumf>, %scan3A_115, %reduce_max3A_124 [1] : vector<8x1536xf32> to vector<8xf32>
      %broadcast_in_dim3A_126 = vector.shape_cast %reduce_max3A_125 : vector<8xf32> to vector<8x1xf32>
      %gt3A_127 = arith.constant 0xFF800000 : f32
      %gt3A_128 = vector.broadcast %gt3A_127 : f32 to vector<8x1xf32>
      %gt3A_129 = arith.cmpf ogt, %broadcast_in_dim3A_126, %gt3A_128 : vector<8x1xf32>
      %eq3A = vector.broadcast %broadcast_in_dim3A_126 : vector<8x1xf32> to vector<8x1536xf32>
      %eq3A_130 = arith.cmpf oeq, %scan3A_115, %eq3A : vector<8x1536xf32>
      %jit3A = arith.constant 20000 : i32
      %broadcast_in_dim3A_131 = vector.broadcast %jit3A : i32 to vector<8x1536xi32>
      %select_n3A = arith.select %eq3A_130, %get3A_20, %broadcast_in_dim3A_131 : vector<8x1536xi1>, vector<8x1536xi32>
      %reduce_min3A = arith.constant dense<2147483647> : vector<8xi32>
      %reduce_min3A_132 = vector.multi_reduction <minsi>, %select_n3A, %reduce_min3A [1] : vector<8x1536xi32> to vector<8xi32>
      %broadcast_in_dim3A_133 = vector.shape_cast %reduce_min3A_132 : vector<8xi32> to vector<8x1xi32>
      %eq3A_134 = vector.broadcast %broadcast_in_dim3A_133 : vector<8x1xi32> to vector<8x1536xi32>
      %eq3A_135 = arith.cmpi eq, %get3A_20, %eq3A_134 : vector<8x1536xi32>
      %and3A_136 = arith.andi %eq3A_130, %eq3A_135 : vector<8x1536xi1>
      %jit3A_137 = arith.constant 0 : i32
      %broadcast_in_dim3A_138 = vector.broadcast %jit3A_137 : i32 to vector<8x1xi32>
      %select_n3A_139 = arith.select %gt3A_129, %broadcast_in_dim3A_133, %broadcast_in_dim3A_138 : vector<8x1xi1>, vector<8x1xi32>
      %jit3A_140 = arith.constant 0.000000e+00 : f32
      %broadcast_in_dim3A_141 = vector.broadcast %jit3A_140 : f32 to vector<8x1536xf32>
      %select_n3A_142 = arith.select %and3A_136, %get3A_23, %broadcast_in_dim3A_141 : vector<8x1536xi1>, vector<8x1536xf32>
      %reduce_sum3A_143 = arith.constant dense<0.000000e+00> : vector<8xf32>
      %reduce_sum3A_144 = vector.multi_reduction <add>, %select_n3A_142, %reduce_sum3A_143 [1] : vector<8x1536xf32> to vector<8xf32>
      %broadcast_in_dim3A_145 = vector.shape_cast %reduce_sum3A_144 : vector<8xf32> to vector<8x1xf32>
      %select_n3A_146 = arith.select %gt3A_129, %broadcast_in_dim3A_145, %squeeze3A : vector<8x1xi1>, vector<8x1xf32>
      %jit3A_147 = arith.constant 0.000000e+00 : f32
      %broadcast_in_dim3A_148 = vector.broadcast %jit3A_147 : f32 to vector<8x1536xf32>
      %select_n3A_149 = arith.select %and3A_136, %get3A_26, %broadcast_in_dim3A_148 : vector<8x1536xi1>, vector<8x1536xf32>
      %reduce_sum3A_150 = arith.constant dense<0.000000e+00> : vector<8xf32>
      %reduce_sum3A_151 = vector.multi_reduction <add>, %select_n3A_149, %reduce_sum3A_150 [1] : vector<8x1536xf32> to vector<8xf32>
      %broadcast_in_dim3A_152 = vector.shape_cast %reduce_sum3A_151 : vector<8xf32> to vector<8x1xf32>
      %select_n3A_153 = arith.select %gt3A_129, %broadcast_in_dim3A_152, %squeeze3A_7 : vector<8x1xi1>, vector<8x1xf32>
      %jit3A_154 = arith.constant 0.000000e+00 : f32
      %broadcast_in_dim3A_155 = vector.broadcast %jit3A_154 : f32 to vector<8x1536xf32>
      %select_n3A_156 = arith.select %and3A_136, %get3A_29, %broadcast_in_dim3A_155 : vector<8x1536xi1>, vector<8x1536xf32>
      %reduce_sum3A_157 = arith.constant dense<0.000000e+00> : vector<8xf32>
      %reduce_sum3A_158 = vector.multi_reduction <add>, %select_n3A_156, %reduce_sum3A_157 [1] : vector<8x1536xf32> to vector<8xf32>
      %broadcast_in_dim3A_159 = vector.shape_cast %reduce_sum3A_158 : vector<8xf32> to vector<8x1xf32>
      %select_n3A_160 = arith.select %gt3A_129, %broadcast_in_dim3A_159, %squeeze3A_9 : vector<8x1xi1>, vector<8x1xf32>
      %jit3A_161 = arith.constant 0.000000e+00 : f32
      %broadcast_in_dim3A_162 = vector.broadcast %jit3A_161 : f32 to vector<8x1536xf32>
      %select_n3A_163 = arith.select %and3A_136, %get3A_32, %broadcast_in_dim3A_162 : vector<8x1536xi1>, vector<8x1536xf32>
      %reduce_sum3A_164 = arith.constant dense<0.000000e+00> : vector<8xf32>
      %reduce_sum3A_165 = vector.multi_reduction <add>, %select_n3A_163, %reduce_sum3A_164 [1] : vector<8x1536xf32> to vector<8xf32>
      %broadcast_in_dim3A_166 = vector.shape_cast %reduce_sum3A_165 : vector<8xf32> to vector<8x1xf32>
      %select_n3A_167 = arith.select %gt3A_129, %broadcast_in_dim3A_166, %squeeze3A_11 : vector<8x1xi1>, vector<8x1xf32>
      %jit3A_168 = arith.constant 0 : i32
      %broadcast_in_dim3A_169 = vector.broadcast %jit3A_168 : i32 to vector<8x1536xi32>
      %select_n3A_170 = arith.select %and3A_136, %get3A_35, %broadcast_in_dim3A_169 : vector<8x1536xi1>, vector<8x1536xi32>
      %reduce_sum3A_171 = arith.constant dense<0> : vector<8xi32>
      %reduce_sum3A_172 = vector.multi_reduction <add>, %select_n3A_170, %reduce_sum3A_171 [1] : vector<8x1536xi32> to vector<8xi32>
      %broadcast_in_dim3A_173 = vector.shape_cast %reduce_sum3A_172 : vector<8xi32> to vector<8x1xi32>
      %select_n3A_174 = arith.select %gt3A_129, %broadcast_in_dim3A_173, %get3A_14 : vector<8x1xi1>, vector<8x1xi32>
      %min3A_175 = arith.minimumf %select_n3A_146, %select_n3A_160 : vector<8x1xf32>
      %max3A_176 = arith.maximumf %select_n3A_146, %select_n3A_160 : vector<8x1xf32>
      %min3A_177 = arith.minimumf %select_n3A_153, %select_n3A_167 : vector<8x1xf32>
      %max3A_178 = arith.maximumf %select_n3A_153, %select_n3A_167 : vector<8x1xf32>
      %min3A_179 = vector.broadcast %max3A_176 : vector<8x1xf32> to vector<8x1536xf32>
      %min3A_180 = arith.minimumf %min3A_179, %max3A : vector<8x1536xf32>
      %max3A_181 = vector.broadcast %min3A_175 : vector<8x1xf32> to vector<8x1536xf32>
      %max3A_182 = arith.maximumf %max3A_181, %min3A : vector<8x1536xf32>
      %sub3A_183 = arith.subf %min3A_180, %max3A_182 : vector<8x1536xf32>
      %max3A_184 = arith.constant 0.000000e+00 : f32
      %max3A_185 = vector.broadcast %max3A_184 : f32 to vector<8x1536xf32>
      %max3A_186 = arith.maximumf %max3A_185, %sub3A_183 : vector<8x1536xf32>
      %min3A_187 = vector.broadcast %max3A_178 : vector<8x1xf32> to vector<8x1536xf32>
      %min3A_188 = arith.minimumf %min3A_187, %max3A_37 : vector<8x1536xf32>
      %max3A_189 = vector.broadcast %min3A_177 : vector<8x1xf32> to vector<8x1536xf32>
      %max3A_190 = arith.maximumf %max3A_189, %min3A_36 : vector<8x1536xf32>
      %sub3A_191 = arith.subf %min3A_188, %max3A_190 : vector<8x1536xf32>
      %max3A_192 = arith.constant 0.000000e+00 : f32
      %max3A_193 = vector.broadcast %max3A_192 : f32 to vector<8x1536xf32>
      %max3A_194 = arith.maximumf %max3A_193, %sub3A_191 : vector<8x1536xf32>
      %mul3A_195 = arith.mulf %max3A_186, %max3A_194 : vector<8x1536xf32>
      %sub3A_196 = arith.subf %max3A_176, %min3A_175 : vector<8x1xf32>
      %sub3A_197 = arith.subf %max3A_178, %min3A_177 : vector<8x1xf32>
      %mul3A_198 = arith.mulf %sub3A_196, %sub3A_197 : vector<8x1xf32>
      %add3A = vector.broadcast %mul3A_198 : vector<8x1xf32> to vector<8x1536xf32>
      %add3A_199 = arith.addf %add3A, %mul3A : vector<8x1536xf32>
      %sub3A_200 = arith.subf %add3A_199, %mul3A_195 : vector<8x1536xf32>
      %gt3A_201 = arith.constant 0.000000e+00 : f32
      %gt3A_202 = vector.broadcast %gt3A_201 : f32 to vector<8x1536xf32>
      %gt3A_203 = arith.cmpf ogt, %sub3A_200, %gt3A_202 : vector<8x1536xf32>
      %div3A = arith.divf %mul3A_195, %sub3A_200 : vector<8x1536xf32>
      %jit3A_204 = arith.constant 0.000000e+00 : f32
      %broadcast_in_dim3A_205 = vector.broadcast %jit3A_204 : f32 to vector<8x1536xf32>
      %select_n3A_206 = arith.select %gt3A_203, %div3A, %broadcast_in_dim3A_205 : vector<8x1536xi1>, vector<8x1536xf32>
      %gt3A_207 = arith.constant 5.000000e-01 : f32
      %gt3A_208 = vector.broadcast %gt3A_207 : f32 to vector<8x1536xf32>
      %gt3A_209 = arith.cmpf ogt, %select_n3A_206, %gt3A_208 : vector<8x1536xf32>
      %and3A_210 = vector.broadcast %gt3A_129 : vector<8x1xi1> to vector<8x1536xi1>
      %and3A_211 = arith.andi %gt3A_209, %and3A_210 : vector<8x1536xi1>
      %or3A_212 = arith.ori %and3A_211, %and3A_136 : vector<8x1536xi1>
      %jit3A_213 = arith.constant 0xFF800000 : f32
      %broadcast_in_dim3A_214 = vector.broadcast %jit3A_213 : f32 to vector<8x1536xf32>
      %select_n3A_215 = arith.select %or3A_212, %broadcast_in_dim3A_214, %scan3A_115 : vector<8x1536xi1>, vector<8x1536xf32>
      %eq3A_216 = vector.broadcast %scan3A_114 : i32 to vector<8x128xi32>
      %eq3A_217 = arith.cmpi eq, %iota3A, %eq3A_216 : vector<8x128xi32>
      %select_n3A_218 = arith.select %gt3A_129, %broadcast_in_dim3A_126, %get3A_1 : vector<8x1xi1>, vector<8x1xf32>
      %broadcast_in_dim3A_219 = vector.shape_cast %select_n3A_139 : vector<8x1xi32> to vector<8x1xi32>
      %broadcast_in_dim3A_220 = vector.broadcast %broadcast_in_dim3A_219 : vector<8x1xi32> to vector<8x128xi32>
      %select_n3A_221 = arith.select %eq3A_217, %broadcast_in_dim3A_220, %scan3A_116 : vector<8x128xi1>, vector<8x128xi32>
      %broadcast_in_dim3A_222 = vector.shape_cast %select_n3A_218 : vector<8x1xf32> to vector<8x1xf32>
      %broadcast_in_dim3A_223 = vector.broadcast %broadcast_in_dim3A_222 : vector<8x1xf32> to vector<8x128xf32>
      %select_n3A_224 = arith.select %eq3A_217, %broadcast_in_dim3A_223, %scan3A_117 : vector<8x128xi1>, vector<8x128xf32>
      %broadcast_in_dim3A_225 = vector.shape_cast %select_n3A_174 : vector<8x1xi32> to vector<8x1xi32>
      %broadcast_in_dim3A_226 = vector.broadcast %broadcast_in_dim3A_225 : vector<8x1xi32> to vector<8x128xi32>
      %select_n3A_227 = arith.select %eq3A_217, %broadcast_in_dim3A_226, %scan3A_118 : vector<8x128xi1>, vector<8x128xi32>
      %broadcast_in_dim3A_228 = vector.shape_cast %select_n3A_146 : vector<8x1xf32> to vector<8x1xf32>
      %broadcast_in_dim3A_229 = vector.broadcast %broadcast_in_dim3A_228 : vector<8x1xf32> to vector<8x128xf32>
      %select_n3A_230 = arith.select %eq3A_217, %broadcast_in_dim3A_229, %scan3A_119 : vector<8x128xi1>, vector<8x128xf32>
      %broadcast_in_dim3A_231 = vector.shape_cast %select_n3A_153 : vector<8x1xf32> to vector<8x1xf32>
      %broadcast_in_dim3A_232 = vector.broadcast %broadcast_in_dim3A_231 : vector<8x1xf32> to vector<8x128xf32>
      %select_n3A_233 = arith.select %eq3A_217, %broadcast_in_dim3A_232, %scan3A_120 : vector<8x128xi1>, vector<8x128xf32>
      %broadcast_in_dim3A_234 = vector.shape_cast %select_n3A_160 : vector<8x1xf32> to vector<8x1xf32>
      %broadcast_in_dim3A_235 = vector.broadcast %broadcast_in_dim3A_234 : vector<8x1xf32> to vector<8x128xf32>
      %select_n3A_236 = arith.select %eq3A_217, %broadcast_in_dim3A_235, %scan3A_121 : vector<8x128xi1>, vector<8x128xf32>
      %broadcast_in_dim3A_237 = vector.shape_cast %select_n3A_167 : vector<8x1xf32> to vector<8x1xf32>
      %broadcast_in_dim3A_238 = vector.broadcast %broadcast_in_dim3A_237 : vector<8x1xf32> to vector<8x128xf32>
      %select_n3A_239 = arith.select %eq3A_217, %broadcast_in_dim3A_238, %scan3A_122 : vector<8x128xi1>, vector<8x128xf32>
      %convert_element_type3A_240 = arith.extui %gt3A_129 : vector<8x1xi1> to vector<8x1xi32>
      %broadcast_in_dim3A_241 = vector.shape_cast %convert_element_type3A_240 : vector<8x1xi32> to vector<8x1xi32>
      %broadcast_in_dim3A_242 = vector.broadcast %broadcast_in_dim3A_241 : vector<8x1xi32> to vector<8x128xi32>
      %add3A_243 = arith.addi %scan3A_123, %broadcast_in_dim3A_242 : vector<8x128xi32>
      scf.yield %select_n3A_215, %select_n3A_221, %select_n3A_224, %select_n3A_227, %select_n3A_230, %select_n3A_233, %select_n3A_236, %select_n3A_239, %add3A_243 : vector<8x1536xf32>, vector<8x128xi32>, vector<8x128xf32>, vector<8x128xi32>, vector<8x128xf32>, vector<8x128xf32>, vector<8x128xf32>, vector<8x128xf32>, vector<8x128xi32>
    }
    %scan3A_46 = arith.constant 100 : i32
    %slice3A_47 = vector.extract_strided_slice %scan3A_45#8 {offsets = [0, 0], sizes = [8, 1], strides = [1, 1]} : vector<8x128xi32> to vector<8x1xi32>
    %get3A_48 = arith.constant 0 : index
    %get3A_49 = arith.constant 0 : index
    %get3A_50 = vector.load %arg0[%get3A_48, %get3A_49] : memref<8x20000xf32, #tpu.memory_space<vmem>>, vector<8x20000xf32>
    %ge3A = arith.constant 5.000000e-01 : f32
    %ge3A_51 = vector.broadcast %ge3A : f32 to vector<8x20000xf32>
    %ge3A_52 = arith.cmpf oge, %get3A_50, %ge3A_51 : vector<8x20000xf32>
    %convert_element_type3A = arith.extui %ge3A_52 : vector<8x20000xi1> to vector<8x20000xi32>
    %reduce_sum3A = arith.constant dense<0> : vector<8xi32>
    %reduce_sum3A_53 = vector.multi_reduction <add>, %convert_element_type3A, %reduce_sum3A [1] : vector<8x20000xi32> to vector<8xi32>
    %broadcast_in_dim3A_54 = vector.shape_cast %reduce_sum3A_53 : vector<8xi32> to vector<8x1xi32>
    %ge3A_55 = arith.constant 0.999343276 : f32
    %ge3A_56 = vector.broadcast %ge3A_55 : f32 to vector<8x20000xf32>
    %ge3A_57 = arith.cmpf oge, %get3A_50, %ge3A_56 : vector<8x20000xf32>
    %convert_element_type3A_58 = arith.extui %ge3A_57 : vector<8x20000xi1> to vector<8x20000xi32>
    %reduce_sum3A_59 = arith.constant dense<0> : vector<8xi32>
    %reduce_sum3A_60 = vector.multi_reduction <add>, %convert_element_type3A_58, %reduce_sum3A_59 [1] : vector<8x20000xi32> to vector<8xi32>
    %broadcast_in_dim3A_61 = vector.shape_cast %reduce_sum3A_60 : vector<8xi32> to vector<8x1xi32>
    %gt3A = arith.cmpi sgt, %broadcast_in_dim3A_54, %broadcast_in_dim3A_61 : vector<8x1xi32>
    %get3A_62 = arith.constant 0 : index
    %get3A_63 = arith.constant 0 : index
    %get3A_64 = vector.load %arg10[%get3A_62, %get3A_63] : memref<8x64xi32, #tpu.memory_space<vmem>>, vector<8x64xi32>
    %reduce_max3A = arith.constant dense<-2147483648> : vector<8xi32>
    %reduce_max3A_65 = vector.multi_reduction <maxsi>, %get3A_64, %reduce_max3A [1] : vector<8x64xi32> to vector<8xi32>
    %broadcast_in_dim3A_66 = vector.shape_cast %reduce_max3A_65 : vector<8xi32> to vector<8x1xi32>
    %gt3A_67 = arith.constant 384 : i32
    %gt3A_68 = vector.broadcast %gt3A_67 : i32 to vector<8x1xi32>
    %gt3A_69 = arith.cmpi sgt, %broadcast_in_dim3A_66, %gt3A_68 : vector<8x1xi32>
    %lt3A = arith.constant 100 : i32
    %lt3A_70 = vector.broadcast %lt3A : i32 to vector<8x1xi32>
    %lt3A_71 = arith.cmpi slt, %slice3A_47, %lt3A_70 : vector<8x1xi32>
    %and3A = arith.andi %gt3A, %lt3A_71 : vector<8x1xi1>
    %or3A = arith.ori %gt3A_69, %and3A : vector<8x1xi1>
    %convert_element_type3A_72 = arith.extui %or3A : vector<8x1xi1> to vector<8x1xi32>
    %reduce_max3A_73 = vector.shape_cast %convert_element_type3A_72 : vector<8x1xi32> to vector<1x8x1xi32>
    %reduce_max3A_74 = arith.constant dense<-2147483648> : vector<1xi32>
    %reduce_max3A_75 = vector.multi_reduction <maxsi>, %reduce_max3A_73, %reduce_max3A_74 [1, 2] : vector<1x8x1xi32> to vector<1xi32>
    %reduce_max3A_76 = vector.shape_cast %reduce_max3A_75 : vector<1xi32> to vector<1x1x1xi32>
    %reduce_max3A_77 = vector.extract %reduce_max3A_76[0, 0, 0] : i32 from vector<1x1x1xi32>
    %gt3A_78 = arith.constant 0 : i32
    %gt3A_79 = arith.cmpi sgt, %reduce_max3A_77, %gt3A_78 : i32
    %convert_element_type3A_80 = arith.extui %gt3A_79 : i1 to i32
    %cond3A = arith.constant 0 : i32
    %cond3A_81 = arith.cmpi ne, %convert_element_type3A_80, %cond3A : i32
    %cond3A_82:8 = scf.if %cond3A_81 -> (vector<8x128xi32>, vector<8x128xf32>, vector<8x128xi32>, vector<8x128xf32>, vector<8x128xf32>, vector<8x128xf32>, vector<8x128xf32>, vector<8x128xi32>) {
      %get3A_114 = arith.constant 0 : index
      %get3A_115 = arith.constant 0 : index
      %get3A_116 = vector.load %arg0[%get3A_114, %get3A_115] : memref<8x20000xf32, #tpu.memory_space<vmem>>, vector<8x20000xf32>
      %ge3A_117 = arith.constant 5.000000e-01 : f32
      %ge3A_118 = vector.broadcast %ge3A_117 : f32 to vector<8x20000xf32>
      %ge3A_119 = arith.cmpf oge, %get3A_116, %ge3A_118 : vector<8x20000xf32>
      %jit3A = arith.constant 0xFF800000 : f32
      %broadcast_in_dim3A_120 = vector.broadcast %jit3A : f32 to vector<8x20000xf32>
      %select_n3A = arith.select %ge3A_119, %get3A_116, %broadcast_in_dim3A_120 : vector<8x20000xi1>, vector<8x20000xf32>
      %swap3A_121 = arith.constant 0 : index
      %swap3A_122 = arith.constant 0 : index
      %swap3A_123 = vector.load %arg19[%swap3A_121, %swap3A_122] : memref<8x20000xf32, #tpu.memory_space<vmem>>, vector<8x20000xf32>
      tpu.vector_store %arg19[%swap3A_121, %swap3A_122], %select_n3A {strides = array<i32>} : memref<8x20000xf32, #tpu.memory_space<vmem>>, vector<8x20000xf32>,
      %iota3A_124 = tpu.iota {dimensions = array<i32: 1>} : vector<8x20000xi32>
      %get3A_125 = arith.constant 0 : index
      %get3A_126 = arith.constant 0 : index
      %get3A_127 = arith.constant 0 : index
      %get3A_128 = vector.load %arg1[%get3A_125, %get3A_126, %get3A_127] : memref<8x4x20000xf32, #tpu.memory_space<vmem>>, vector<8x1x20000xf32>
      %get3A_129 = vector.shape_cast %get3A_128 : vector<8x1x20000xf32> to vector<8x20000xf32>
      %get3A_130 = arith.constant 0 : index
      %get3A_131 = arith.constant 1 : index
      %get3A_132 = arith.constant 0 : index
      %get3A_133 = vector.load %arg1[%get3A_130, %get3A_131, %get3A_132] : memref<8x4x20000xf32, #tpu.memory_space<vmem>>, vector<8x1x20000xf32>
      %get3A_134 = vector.shape_cast %get3A_133 : vector<8x1x20000xf32> to vector<8x20000xf32>
      %get3A_135 = arith.constant 0 : index
      %get3A_136 = arith.constant 2 : index
      %get3A_137 = arith.constant 0 : index
      %get3A_138 = vector.load %arg1[%get3A_135, %get3A_136, %get3A_137] : memref<8x4x20000xf32, #tpu.memory_space<vmem>>, vector<8x1x20000xf32>
      %get3A_139 = vector.shape_cast %get3A_138 : vector<8x1x20000xf32> to vector<8x20000xf32>
      %get3A_140 = arith.constant 0 : index
      %get3A_141 = arith.constant 3 : index
      %get3A_142 = arith.constant 0 : index
      %get3A_143 = vector.load %arg1[%get3A_140, %get3A_141, %get3A_142] : memref<8x4x20000xf32, #tpu.memory_space<vmem>>, vector<8x1x20000xf32>
      %get3A_144 = vector.shape_cast %get3A_143 : vector<8x1x20000xf32> to vector<8x20000xf32>
      %get3A_145 = arith.constant 0 : index
      %get3A_146 = arith.constant 0 : index
      %get3A_147 = vector.load %arg2[%get3A_145, %get3A_146] : memref<8x20000xi32, #tpu.memory_space<vmem>>, vector<8x20000xi32>
      %min3A_148 = arith.minimumf %get3A_129, %get3A_139 : vector<8x20000xf32>
      %max3A_149 = arith.maximumf %get3A_129, %get3A_139 : vector<8x20000xf32>
      %min3A_150 = arith.minimumf %get3A_134, %get3A_144 : vector<8x20000xf32>
      %max3A_151 = arith.maximumf %get3A_134, %get3A_144 : vector<8x20000xf32>
      %sub3A_152 = arith.subf %max3A_149, %min3A_148 : vector<8x20000xf32>
      %sub3A_153 = arith.subf %max3A_151, %min3A_150 : vector<8x20000xf32>
      %mul3A_154 = arith.mulf %sub3A_152, %sub3A_153 : vector<8x20000xf32>
      %scan3A_155 = arith.constant 0 : i32
      %scan3A_156 = arith.constant 100 : i32
      %scan3A_157 = arith.addi %scan3A_155, %scan3A_156 : i32
      %scan3A_158 = arith.constant 1 : i32
      %scan3A_159:8 = scf.for %scan3A_161 = %scan3A_155 to %scan3A_157 step %scan3A_158 iter_args(%scan3A_162 = %broadcast_in_dim3A_17, %scan3A_163 = %broadcast_in_dim3A_15, %scan3A_164 = %broadcast_in_dim3A_17, %scan3A_165 = %broadcast_in_dim3A_15, %scan3A_166 = %broadcast_in_dim3A_15, %scan3A_167 = %broadcast_in_dim3A_15, %scan3A_168 = %broadcast_in_dim3A_15, %scan3A_169 = %broadcast_in_dim3A_17) -> (vector<8x128xi32>, vector<8x128xf32>, vector<8x128xi32>, vector<8x128xf32>, vector<8x128xf32>, vector<8x128xf32>, vector<8x128xf32>, vector<8x128xi32>)  : i32 {
        %get3A_170 = arith.constant 0 : index
        %get3A_171 = arith.constant 0 : index
        %get3A_172 = vector.load %arg19[%get3A_170, %get3A_171] : memref<8x20000xf32, #tpu.memory_space<vmem>>, vector<8x20000xf32>
        %reduce_max3A_173 = arith.constant dense<0xFF800000> : vector<8xf32>
        %reduce_max3A_174 = vector.multi_reduction <maximumf>, %get3A_172, %reduce_max3A_173 [1] : vector<8x20000xf32> to vector<8xf32>
        %broadcast_in_dim3A_175 = vector.shape_cast %reduce_max3A_174 : vector<8xf32> to vector<8x1xf32>
        %gt3A_176 = arith.constant 0xFF800000 : f32
        %gt3A_177 = vector.broadcast %gt3A_176 : f32 to vector<8x1xf32>
        %gt3A_178 = arith.cmpf ogt, %broadcast_in_dim3A_175, %gt3A_177 : vector<8x1xf32>
        %eq3A = vector.broadcast %broadcast_in_dim3A_175 : vector<8x1xf32> to vector<8x20000xf32>
        %eq3A_179 = arith.cmpf oeq, %get3A_172, %eq3A : vector<8x20000xf32>
        %jit3A_180 = arith.constant 20000 : i32
        %broadcast_in_dim3A_181 = vector.broadcast %jit3A_180 : i32 to vector<8x20000xi32>
        %select_n3A_182 = arith.select %eq3A_179, %iota3A_124, %broadcast_in_dim3A_181 : vector<8x20000xi1>, vector<8x20000xi32>
        %reduce_min3A = arith.constant dense<2147483647> : vector<8xi32>
        %reduce_min3A_183 = vector.multi_reduction <minsi>, %select_n3A_182, %reduce_min3A [1] : vector<8x20000xi32> to vector<8xi32>
        %broadcast_in_dim3A_184 = vector.shape_cast %reduce_min3A_183 : vector<8xi32> to vector<8x1xi32>
        %eq3A_185 = vector.broadcast %broadcast_in_dim3A_184 : vector<8x1xi32> to vector<8x20000xi32>
        %eq3A_186 = arith.cmpi eq, %iota3A_124, %eq3A_185 : vector<8x20000xi32>
        %and3A_187 = arith.andi %eq3A_179, %eq3A_186 : vector<8x20000xi1>
        %jit3A_188 = arith.constant 0 : i32
        %broadcast_in_dim3A_189 = vector.broadcast %jit3A_188 : i32 to vector<8x1xi32>
        %select_n3A_190 = arith.select %gt3A_178, %broadcast_in_dim3A_184, %broadcast_in_dim3A_189 : vector<8x1xi1>, vector<8x1xi32>
        %jit3A_191 = arith.constant 0.000000e+00 : f32
        %broadcast_in_dim3A_192 = vector.broadcast %jit3A_191 : f32 to vector<8x20000xf32>
        %select_n3A_193 = arith.select %and3A_187, %get3A_129, %broadcast_in_dim3A_192 : vector<8x20000xi1>, vector<8x20000xf32>
        %reduce_sum3A_194 = arith.constant dense<0.000000e+00> : vector<8xf32>
        %reduce_sum3A_195 = vector.multi_reduction <add>, %select_n3A_193, %reduce_sum3A_194 [1] : vector<8x20000xf32> to vector<8xf32>
        %broadcast_in_dim3A_196 = vector.shape_cast %reduce_sum3A_195 : vector<8xf32> to vector<8x1xf32>
        %select_n3A_197 = arith.select %gt3A_178, %broadcast_in_dim3A_196, %squeeze3A : vector<8x1xi1>, vector<8x1xf32>
        %jit3A_198 = arith.constant 0.000000e+00 : f32
        %broadcast_in_dim3A_199 = vector.broadcast %jit3A_198 : f32 to vector<8x20000xf32>
        %select_n3A_200 = arith.select %and3A_187, %get3A_134, %broadcast_in_dim3A_199 : vector<8x20000xi1>, vector<8x20000xf32>
        %reduce_sum3A_201 = arith.constant dense<0.000000e+00> : vector<8xf32>
        %reduce_sum3A_202 = vector.multi_reduction <add>, %select_n3A_200, %reduce_sum3A_201 [1] : vector<8x20000xf32> to vector<8xf32>
        %broadcast_in_dim3A_203 = vector.shape_cast %reduce_sum3A_202 : vector<8xf32> to vector<8x1xf32>
        %select_n3A_204 = arith.select %gt3A_178, %broadcast_in_dim3A_203, %squeeze3A_7 : vector<8x1xi1>, vector<8x1xf32>
        %jit3A_205 = arith.constant 0.000000e+00 : f32
        %broadcast_in_dim3A_206 = vector.broadcast %jit3A_205 : f32 to vector<8x20000xf32>
        %select_n3A_207 = arith.select %and3A_187, %get3A_139, %broadcast_in_dim3A_206 : vector<8x20000xi1>, vector<8x20000xf32>
        %reduce_sum3A_208 = arith.constant dense<0.000000e+00> : vector<8xf32>
        %reduce_sum3A_209 = vector.multi_reduction <add>, %select_n3A_207, %reduce_sum3A_208 [1] : vector<8x20000xf32> to vector<8xf32>
        %broadcast_in_dim3A_210 = vector.shape_cast %reduce_sum3A_209 : vector<8xf32> to vector<8x1xf32>
        %select_n3A_211 = arith.select %gt3A_178, %broadcast_in_dim3A_210, %squeeze3A_9 : vector<8x1xi1>, vector<8x1xf32>
        %jit3A_212 = arith.constant 0.000000e+00 : f32
        %broadcast_in_dim3A_213 = vector.broadcast %jit3A_212 : f32 to vector<8x20000xf32>
        %select_n3A_214 = arith.select %and3A_187, %get3A_144, %broadcast_in_dim3A_213 : vector<8x20000xi1>, vector<8x20000xf32>
        %reduce_sum3A_215 = arith.constant dense<0.000000e+00> : vector<8xf32>
        %reduce_sum3A_216 = vector.multi_reduction <add>, %select_n3A_214, %reduce_sum3A_215 [1] : vector<8x20000xf32> to vector<8xf32>
        %broadcast_in_dim3A_217 = vector.shape_cast %reduce_sum3A_216 : vector<8xf32> to vector<8x1xf32>
        %select_n3A_218 = arith.select %gt3A_178, %broadcast_in_dim3A_217, %squeeze3A_11 : vector<8x1xi1>, vector<8x1xf32>
        %jit3A_219 = arith.constant 0 : i32
        %broadcast_in_dim3A_220 = vector.broadcast %jit3A_219 : i32 to vector<8x20000xi32>
        %select_n3A_221 = arith.select %and3A_187, %get3A_147, %broadcast_in_dim3A_220 : vector<8x20000xi1>, vector<8x20000xi32>
        %reduce_sum3A_222 = arith.constant dense<0> : vector<8xi32>
        %reduce_sum3A_223 = vector.multi_reduction <add>, %select_n3A_221, %reduce_sum3A_222 [1] : vector<8x20000xi32> to vector<8xi32>
        %broadcast_in_dim3A_224 = vector.shape_cast %reduce_sum3A_223 : vector<8xi32> to vector<8x1xi32>
        %select_n3A_225 = arith.select %gt3A_178, %broadcast_in_dim3A_224, %get3A_14 : vector<8x1xi1>, vector<8x1xi32>
        %min3A_226 = arith.minimumf %select_n3A_197, %select_n3A_211 : vector<8x1xf32>
        %max3A_227 = arith.maximumf %select_n3A_197, %select_n3A_211 : vector<8x1xf32>
        %min3A_228 = arith.minimumf %select_n3A_204, %select_n3A_218 : vector<8x1xf32>
        %max3A_229 = arith.maximumf %select_n3A_204, %select_n3A_218 : vector<8x1xf32>
        %min3A_230 = vector.broadcast %max3A_227 : vector<8x1xf32> to vector<8x20000xf32>
        %min3A_231 = arith.minimumf %min3A_230, %max3A_149 : vector<8x20000xf32>
        %max3A_232 = vector.broadcast %min3A_226 : vector<8x1xf32> to vector<8x20000xf32>
        %max3A_233 = arith.maximumf %max3A_232, %min3A_148 : vector<8x20000xf32>
        %sub3A_234 = arith.subf %min3A_231, %max3A_233 : vector<8x20000xf32>
        %max3A_235 = arith.constant 0.000000e+00 : f32
        %max3A_236 = vector.broadcast %max3A_235 : f32 to vector<8x20000xf32>
        %max3A_237 = arith.maximumf %max3A_236, %sub3A_234 : vector<8x20000xf32>
        %min3A_238 = vector.broadcast %max3A_229 : vector<8x1xf32> to vector<8x20000xf32>
        %min3A_239 = arith.minimumf %min3A_238, %max3A_151 : vector<8x20000xf32>
        %max3A_240 = vector.broadcast %min3A_228 : vector<8x1xf32> to vector<8x20000xf32>
        %max3A_241 = arith.maximumf %max3A_240, %min3A_150 : vector<8x20000xf32>
        %sub3A_242 = arith.subf %min3A_239, %max3A_241 : vector<8x20000xf32>
        %max3A_243 = arith.constant 0.000000e+00 : f32
        %max3A_244 = vector.broadcast %max3A_243 : f32 to vector<8x20000xf32>
        %max3A_245 = arith.maximumf %max3A_244, %sub3A_242 : vector<8x20000xf32>
        %mul3A_246 = arith.mulf %max3A_237, %max3A_245 : vector<8x20000xf32>
        %sub3A_247 = arith.subf %max3A_227, %min3A_226 : vector<8x1xf32>
        %sub3A_248 = arith.subf %max3A_229, %min3A_228 : vector<8x1xf32>
        %mul3A_249 = arith.mulf %sub3A_247, %sub3A_248 : vector<8x1xf32>
        %add3A = vector.broadcast %mul3A_249 : vector<8x1xf32> to vector<8x20000xf32>
        %add3A_250 = arith.addf %add3A, %mul3A_154 : vector<8x20000xf32>
        %sub3A_251 = arith.subf %add3A_250, %mul3A_246 : vector<8x20000xf32>
        %gt3A_252 = arith.constant 0.000000e+00 : f32
        %gt3A_253 = vector.broadcast %gt3A_252 : f32 to vector<8x20000xf32>
        %gt3A_254 = arith.cmpf ogt, %sub3A_251, %gt3A_253 : vector<8x20000xf32>
        %div3A = arith.divf %mul3A_246, %sub3A_251 : vector<8x20000xf32>
        %jit3A_255 = arith.constant 0.000000e+00 : f32
        %broadcast_in_dim3A_256 = vector.broadcast %jit3A_255 : f32 to vector<8x20000xf32>
        %select_n3A_257 = arith.select %gt3A_254, %div3A, %broadcast_in_dim3A_256 : vector<8x20000xi1>, vector<8x20000xf32>
        %gt3A_258 = arith.constant 5.000000e-01 : f32
        %gt3A_259 = vector.broadcast %gt3A_258 : f32 to vector<8x20000xf32>
        %gt3A_260 = arith.cmpf ogt, %select_n3A_257, %gt3A_259 : vector<8x20000xf32>
        %and3A_261 = vector.broadcast %gt3A_178 : vector<8x1xi1> to vector<8x20000xi1>
        %and3A_262 = arith.andi %gt3A_260, %and3A_261 : vector<8x20000xi1>
        %or3A_263 = arith.ori %and3A_262, %and3A_187 : vector<8x20000xi1>
        %jit3A_264 = arith.constant 0xFF800000 : f32
        %broadcast_in_dim3A_265 = vector.broadcast %jit3A_264 : f32 to vector<8x20000xf32>
        %select_n3A_266 = arith.select %or3A_263, %broadcast_in_dim3A_265, %get3A_172 : vector<8x20000xi1>, vector<8x20000xf32>
        %eq3A_267 = vector.broadcast %scan3A_161 : i32 to vector<8x128xi32>
        %eq3A_268 = arith.cmpi eq, %iota3A, %eq3A_267 : vector<8x128xi32>
        %select_n3A_269 = arith.select %gt3A_178, %broadcast_in_dim3A_175, %get3A_1 : vector<8x1xi1>, vector<8x1xf32>
        %broadcast_in_dim3A_270 = vector.shape_cast %select_n3A_190 : vector<8x1xi32> to vector<8x1xi32>
        %broadcast_in_dim3A_271 = vector.broadcast %broadcast_in_dim3A_270 : vector<8x1xi32> to vector<8x128xi32>
        %select_n3A_272 = arith.select %eq3A_268, %broadcast_in_dim3A_271, %scan3A_162 : vector<8x128xi1>, vector<8x128xi32>
        %broadcast_in_dim3A_273 = vector.shape_cast %select_n3A_269 : vector<8x1xf32> to vector<8x1xf32>
        %broadcast_in_dim3A_274 = vector.broadcast %broadcast_in_dim3A_273 : vector<8x1xf32> to vector<8x128xf32>
        %select_n3A_275 = arith.select %eq3A_268, %broadcast_in_dim3A_274, %scan3A_163 : vector<8x128xi1>, vector<8x128xf32>
        %broadcast_in_dim3A_276 = vector.shape_cast %select_n3A_225 : vector<8x1xi32> to vector<8x1xi32>
        %broadcast_in_dim3A_277 = vector.broadcast %broadcast_in_dim3A_276 : vector<8x1xi32> to vector<8x128xi32>
        %select_n3A_278 = arith.select %eq3A_268, %broadcast_in_dim3A_277, %scan3A_164 : vector<8x128xi1>, vector<8x128xi32>
        %broadcast_in_dim3A_279 = vector.shape_cast %select_n3A_197 : vector<8x1xf32> to vector<8x1xf32>
        %broadcast_in_dim3A_280 = vector.broadcast %broadcast_in_dim3A_279 : vector<8x1xf32> to vector<8x128xf32>
        %select_n3A_281 = arith.select %eq3A_268, %broadcast_in_dim3A_280, %scan3A_165 : vector<8x128xi1>, vector<8x128xf32>
        %broadcast_in_dim3A_282 = vector.shape_cast %select_n3A_204 : vector<8x1xf32> to vector<8x1xf32>
        %broadcast_in_dim3A_283 = vector.broadcast %broadcast_in_dim3A_282 : vector<8x1xf32> to vector<8x128xf32>
        %select_n3A_284 = arith.select %eq3A_268, %broadcast_in_dim3A_283, %scan3A_166 : vector<8x128xi1>, vector<8x128xf32>
        %broadcast_in_dim3A_285 = vector.shape_cast %select_n3A_211 : vector<8x1xf32> to vector<8x1xf32>
        %broadcast_in_dim3A_286 = vector.broadcast %broadcast_in_dim3A_285 : vector<8x1xf32> to vector<8x128xf32>
        %select_n3A_287 = arith.select %eq3A_268, %broadcast_in_dim3A_286, %scan3A_167 : vector<8x128xi1>, vector<8x128xf32>
        %broadcast_in_dim3A_288 = vector.shape_cast %select_n3A_218 : vector<8x1xf32> to vector<8x1xf32>
        %broadcast_in_dim3A_289 = vector.broadcast %broadcast_in_dim3A_288 : vector<8x1xf32> to vector<8x128xf32>
        %select_n3A_290 = arith.select %eq3A_268, %broadcast_in_dim3A_289, %scan3A_168 : vector<8x128xi1>, vector<8x128xf32>
        %convert_element_type3A_291 = arith.extui %gt3A_178 : vector<8x1xi1> to vector<8x1xi32>
        %broadcast_in_dim3A_292 = vector.shape_cast %convert_element_type3A_291 : vector<8x1xi32> to vector<8x1xi32>
        %broadcast_in_dim3A_293 = vector.broadcast %broadcast_in_dim3A_292 : vector<8x1xi32> to vector<8x128xi32>
        %add3A_294 = arith.addi %scan3A_169, %broadcast_in_dim3A_293 : vector<8x128xi32>
        %swap3A_295 = arith.constant 0 : index
        %swap3A_296 = arith.constant 0 : index
        %swap3A_297 = vector.load %arg19[%swap3A_295, %swap3A_296] : memref<8x20000xf32, #tpu.memory_space<vmem>>, vector<8x20000xf32>
        tpu.vector_store %arg19[%swap3A_295, %swap3A_296], %select_n3A_266 {strides = array<i32>} : memref<8x20000xf32, #tpu.memory_space<vmem>>, vector<8x20000xf32>,
        scf.yield %select_n3A_272, %select_n3A_275, %select_n3A_278, %select_n3A_281, %select_n3A_284, %select_n3A_287, %select_n3A_290, %add3A_294 : vector<8x128xi32>, vector<8x128xf32>, vector<8x128xi32>, vector<8x128xf32>, vector<8x128xf32>, vector<8x128xf32>, vector<8x128xf32>, vector<8x128xi32>
      }
      %scan3A_160 = arith.constant 100 : i32
      scf.yield %scan3A_159#0, %scan3A_159#1, %scan3A_159#2, %scan3A_159#3, %scan3A_159#4, %scan3A_159#5, %scan3A_159#6, %scan3A_159#7 : vector<8x128xi32>, vector<8x128xf32>, vector<8x128xi32>, vector<8x128xf32>, vector<8x128xf32>, vector<8x128xf32>, vector<8x128xf32>, vector<8x128xi32>
    } else {
      scf.yield %scan3A_45#1, %scan3A_45#2, %scan3A_45#3, %scan3A_45#4, %scan3A_45#5, %scan3A_45#6, %scan3A_45#7, %scan3A_45#8 : vector<8x128xi32>, vector<8x128xf32>, vector<8x128xi32>, vector<8x128xf32>, vector<8x128xf32>, vector<8x128xf32>, vector<8x128xf32>, vector<8x128xi32>
    }
    %slice3A_83 = vector.extract_strided_slice %cond3A_82#0 {offsets = [0, 0], sizes = [8, 100], strides = [1, 1]} : vector<8x128xi32> to vector<8x100xi32>
    %swap3A = arith.constant 0 : index
    %swap3A_84 = arith.constant 0 : index
    %swap3A_85 = vector.load %arg11[%swap3A, %swap3A_84] : memref<8x100xi32, #tpu.memory_space<vmem>>, vector<8x100xi32>
    tpu.vector_store %arg11[%swap3A, %swap3A_84], %slice3A_83 {strides = array<i32>} : memref<8x100xi32, #tpu.memory_space<vmem>>, vector<8x100xi32>,
    %slice3A_86 = vector.extract_strided_slice %cond3A_82#1 {offsets = [0, 0], sizes = [8, 100], strides = [1, 1]} : vector<8x128xf32> to vector<8x100xf32>
    %swap3A_87 = arith.constant 0 : index
    %swap3A_88 = arith.constant 0 : index
    %swap3A_89 = vector.load %arg12[%swap3A_87, %swap3A_88] : memref<8x100xf32, #tpu.memory_space<vmem>>, vector<8x100xf32>
    tpu.vector_store %arg12[%swap3A_87, %swap3A_88], %slice3A_86 {strides = array<i32>} : memref<8x100xf32, #tpu.memory_space<vmem>>, vector<8x100xf32>,
    %slice3A_90 = vector.extract_strided_slice %cond3A_82#2 {offsets = [0, 0], sizes = [8, 100], strides = [1, 1]} : vector<8x128xi32> to vector<8x100xi32>
    %swap3A_91 = arith.constant 0 : index
    %swap3A_92 = arith.constant 0 : index
    %swap3A_93 = vector.load %arg13[%swap3A_91, %swap3A_92] : memref<8x100xi32, #tpu.memory_space<vmem>>, vector<8x100xi32>
    tpu.vector_store %arg13[%swap3A_91, %swap3A_92], %slice3A_90 {strides = array<i32>} : memref<8x100xi32, #tpu.memory_space<vmem>>, vector<8x100xi32>,
    %slice3A_94 = vector.extract_strided_slice %cond3A_82#3 {offsets = [0, 0], sizes = [8, 100], strides = [1, 1]} : vector<8x128xf32> to vector<8x100xf32>
    %swap3A_95 = arith.constant 0 : index
    %swap3A_96 = arith.constant 0 : index
    %swap3A_97 = vector.load %arg14[%swap3A_95, %swap3A_96] : memref<8x100xf32, #tpu.memory_space<vmem>>, vector<8x100xf32>
    tpu.vector_store %arg14[%swap3A_95, %swap3A_96], %slice3A_94 {strides = array<i32>} : memref<8x100xf32, #tpu.memory_space<vmem>>, vector<8x100xf32>,
    %slice3A_98 = vector.extract_strided_slice %cond3A_82#4 {offsets = [0, 0], sizes = [8, 100], strides = [1, 1]} : vector<8x128xf32> to vector<8x100xf32>
    %swap3A_99 = arith.constant 0 : index
    %swap3A_100 = arith.constant 0 : index
    %swap3A_101 = vector.load %arg15[%swap3A_99, %swap3A_100] : memref<8x100xf32, #tpu.memory_space<vmem>>, vector<8x100xf32>
    tpu.vector_store %arg15[%swap3A_99, %swap3A_100], %slice3A_98 {strides = array<i32>} : memref<8x100xf32, #tpu.memory_space<vmem>>, vector<8x100xf32>,
    %slice3A_102 = vector.extract_strided_slice %cond3A_82#5 {offsets = [0, 0], sizes = [8, 100], strides = [1, 1]} : vector<8x128xf32> to vector<8x100xf32>
    %swap3A_103 = arith.constant 0 : index
    %swap3A_104 = arith.constant 0 : index
    %swap3A_105 = vector.load %arg16[%swap3A_103, %swap3A_104] : memref<8x100xf32, #tpu.memory_space<vmem>>, vector<8x100xf32>
    tpu.vector_store %arg16[%swap3A_103, %swap3A_104], %slice3A_102 {strides = array<i32>} : memref<8x100xf32, #tpu.memory_space<vmem>>, vector<8x100xf32>,
    %slice3A_106 = vector.extract_strided_slice %cond3A_82#6 {offsets = [0, 0], sizes = [8, 100], strides = [1, 1]} : vector<8x128xf32> to vector<8x100xf32>
    %swap3A_107 = arith.constant 0 : index
    %swap3A_108 = arith.constant 0 : index
    %swap3A_109 = vector.load %arg17[%swap3A_107, %swap3A_108] : memref<8x100xf32, #tpu.memory_space<vmem>>, vector<8x100xf32>
    tpu.vector_store %arg17[%swap3A_107, %swap3A_108], %slice3A_106 {strides = array<i32>} : memref<8x100xf32, #tpu.memory_space<vmem>>, vector<8x100xf32>,
    %slice3A_110 = vector.extract_strided_slice %cond3A_82#7 {offsets = [0, 0], sizes = [8, 1], strides = [1, 1]} : vector<8x128xi32> to vector<8x1xi32>
    %swap3A_111 = arith.constant 0 : index
    %swap3A_112 = arith.constant 0 : index
    %swap3A_113 = vector.load %arg18[%swap3A_111, %swap3A_112] : memref<8x1xi32, #tpu.memory_space<vmem>>, vector<8x1xi32>
    tpu.vector_store %arg18[%swap3A_111, %swap3A_112], %slice3A_110 {strides = array<i32>} : memref<8x1xi32, #tpu.memory_space<vmem>>, vector<8x1xi32>,
    return
  }
}

</mosaic_0001>

<sc_bundles>
// kernel: kernel.5.cloned.1.call-start
scs
__scs_entry_jumppad:
0x0: {  	(pc) =	sbr.rel $0x88, $3  }
0x1: {  	(tag) =	ssettag $0x0;
	lr =	simm.s32 $0x1  }
0x2: {  	[smem:$0x3F9F] =	sst lr;
	_ =	strace $0xD0000000  }
0x3: {  	_ = 	snop  }
0x4: {  	_ = 	snop  }
0x5: {  	_ = 	snop  }
0x6: {  	_ = 	snop  }
0x7: {  	_ = 	snop  }
__scs_overlays_trampoline_lowered:
0x8: {  	[smem:$0x3FAE] =	sst s0  }
0x9: {  	[smem:$0x3FAF] =	sst s1  }
0xa: {  	[smem:$0x3FB0] =	sst s2  }
0xb: {  	[smem:$0x3FB1] =	sst s3  }
0xc: {  	[smem:$0x3FB2] =	sst s4  }
0xd: {  	[smem:$0x3FB3] =	sst s5  }
0xe: {  	[smem:$0x3FB4] =	sst s6  }
0xf: {  	[smem:$0x3FB5] =	sst s7  }
0x10: {  	[smem:$0x3FB6] =	sst s8  }
0x11: {  	[smem:$0x3FB7] =	sst s9;
	s0 =	simm.s32 @!p0 $0x0  }
0x12: {  	s1 =	sld [smem:$0x3F9D];
	s0 =	simm.s32 @p0 $0x1  }
0x13: {  	[smem:$0x3FB8] =	sst s0;
	s0 =	simm.s32 @!p1 $0x0  }
0x14: {  	s2 =	sld [smem:$0x3F9C];
	s0 =	simm.s32 @p1 $0x1  }
0x15: {  	[smem:$0x3FB9] =	sst s0;
	s0 =	simm.s32 @!p2 $0x0  }
0x16: {  	s3 =	sld [smem:$0x3FDB];
	s0 =	simm.s32 @p2 $0x1  }
0x17: {  	s4 =	simm.s32 $0x1BF5;
	[smem:$0x3FBB] =	sst s0  }
0x18: {  	s0 =	sld [smem:$0x3F9E];
	_ =	swait.ge [sflag:s4], $0x0  }
0x19: {  	s7 =	sld [smem:$0x3F9F]  }
0x1a: {  	s8 =	sadd.s32 $0xFFFFE003, lr  }
0x1b: {  	s9 =	sadd.s32 $0xFFFFFEF7, lr;
	s5 =	simm.s32 $0xFFFFFFFF;
	p2 =	slt.u32 s8, $0xFFFFF086  }
0x1c: {  	p1 =	slt.u32 s9, $0xF7A;
	s5 =	simm.s32 @!p2 $0x0  }
0x1d: {  	s5 =	simm.s32 @p1 $0x1;
	p0 =	seq.s32 s7, s2  }
0x1e: {  	s7 =	smul.u32 @!p0 $0xF7A, s2;
	p2 =	seq.s32 @!p0 s5, $0x0  }
0x1f: {  	s9 =	smul.u32 $0xF7A, s1;
	s8 =	simm.s32 @!p0 $0x1BF5;
	p2 =	por !p2, p0  }
0x20: {  	[sflag:s8] =	ssyncset.s32 @!p0 $0xFFFFF086;
	s6 =	sadd.s32 @!p0 s3, s7;
	s7 =	simm.s32 @!p0 $0x108  }
0x21: {  	s3 =	sadd.s32 s3, s9;
	s6 =	sadd.s32 @!p0 $0x88, s6;
	s7 =	simm.s32 @p2 $0x1082  }
0x22: {  	[simem:s7], [sflag:s8] =	dma.local @!p0 [hbm:s6], $0xF7A  }
0x23: {  	s9 =	sor.u32 $0xD0000000, s2;
	s6 =	simm.s32 $0x108;
	_ =	swait.ge @!p0 [sflag:s8], $0x0  }
0x24: {  	s3 =	sadd.s32 $0x88, s3;
	s6 =	simm.s32 @!p1 $0x1082;
	[sflag:s4] =	ssyncset.s32 $0xFFFFF086  }
0x25: {  	[simem:s6], [sflag:s4] =	dma.local [hbm:s3], $0xF7A  }
0x26: {  	[smem:$0x3F9F] =	sst s1;
	(tag) =	ssettag s2;
	_ =	strace s9  }
0x27: {  	s1 =	sld [smem:$0x3FAF]  }
0x28: {  	s2 =	sld [smem:$0x3FB0]  }
0x29: {  	s4 =	sld [smem:$0x3FB2]  }
0x2a: {  	p0 =	seq.s32 s5, $0x0;
	s5 =	sld [smem:$0x3FB3]  }
0x2b: {  	s6 =	sld [smem:$0x3FB4]  }
0x2c: {  	s7 =	sld [smem:$0x3FB5]  }
0x2d: {  	s3 =	simm.s32 $0x108;
	s8 =	sld [smem:$0x3FB6]  }
0x2e: {  	s3 =	simm.s32 @!p0 $0x1082;
	s9 =	sld [smem:$0x3FB7]  }
0x2f: {  	lr =	sadd.s32 s0, s3;
	s0 =	sld [smem:$0x3FAE]  }
0x30: {  	s3 =	sld [smem:$0x3FB1]  }
0x31: {  	[smem:$0x3FBA] =	sst s10  }
0x32: {  	s10 =	sld [smem:$0x3FB8];
	_ =	sdelay $0x3  }
0x33: {  	p0 =	seq.s32 s10, $0x1;
	s10 =	sld [smem:$0x3FBA];
	_ =	sdelay $0x3  }
0x34: {  	[smem:$0x3FBA] =	sst s10  }
0x35: {  	s10 =	sld [smem:$0x3FB9];
	_ =	sdelay $0x3  }
0x36: {  	p1 =	seq.s32 s10, $0x1;
	s10 =	sld [smem:$0x3FBA];
	_ =	sdelay $0x3  }
0x37: {  	[smem:$0x3FBA] =	sst s10  }
0x38: {  	s10 =	sld [smem:$0x3FBB]  }
0x39: {  	_ = 	snop;
	(pc) =	sbr.ind lr, $3  }
0x3a: {  	_ = 	snop  }
0x3b: {  	_ = 	snop  }
0x3c: {  	p2 =	seq.s32 s10, $0x1;
	s10 =	sld [smem:$0x3FBA]  }
0x3d: {  	_ =	shalt  }
0x3e: {  	_ =	shalt  }
0x3f: {  	_ =	shalt  }
0x40: {  	_ =	shalt  }
0x41: {  	_ =	shalt  }
0x42: {  	_ =	shalt  }
0x43: {  	_ =	shalt  }
0x44: {  	_ =	shalt  }
0x45: {  	_ =	shalt  }
0x46: {  	_ =	shalt  }
0x47: {  	_ =	shalt  }
0x48: {  	_ =	shalt  }
0x49: {  	_ =	shalt  }
0x4a: {  	_ =	shalt  }
0x4b: {  	_ =	shalt  }
0x4c: {  	_ =	shalt  }
0x4d: {  	_ =	shalt  }
0x4e: {  	_ =	shalt  }
0x4f: {  	_ =	shalt  }
0x50: {  	_ =	shalt  }
0x51: {  	_ =	shalt  }
0x52: {  	_ =	shalt  }
0x53: {  	_ =	shalt  }
0x54: {  	_ =	shalt  }
0x55: {  	_ =	shalt  }
0x56: {  	_ =	shalt  }
0x57: {  	_ =	shalt  }
0x58: {  	_ =	shalt  }
0x59: {  	_ =	shalt  }
0x5a: {  	_ =	shalt  }
0x5b: {  	_ =	shalt  }
0x5c: {  	_ =	shalt  }
0x5d: {  	_ =	shalt  }
0x5e: {  	_ =	shalt  }
0x5f: {  	_ =	shalt  }
0x60: {  	_ =	shalt  }
0x61: {  	_ =	shalt  }
0x62: {  	_ =	shalt  }
0x63: {  	_ =	shalt  }
0x64: {  	_ =	shalt  }
0x65: {  	_ =	shalt  }
0x66: {  	_ =	shalt  }
0x67: {  	_ =	shalt  }
0x68: {  	_ =	shalt  }
0x69: {  	_ =	shalt  }
0x6a: {  	_ =	shalt  }
0x6b: {  	_ =	shalt  }
0x6c: {  	_ =	shalt  }
0x6d: {  	_ =	shalt  }
0x6e: {  	_ =	shalt  }
0x6f: {  	_ =	shalt  }
0x70: {  	_ =	shalt  }
0x71: {  	_ =	shalt  }
0x72: {  	_ =	shalt  }
0x73: {  	_ =	shalt  }
0x74: {  	_ =	shalt  }
0x75: {  	_ =	shalt  }
0x76: {  	_ =	shalt  }
0x77: {  	_ =	shalt  }
0x78: {  	_ =	shalt  }
0x79: {  	_ =	shalt  }
0x7a: {  	_ =	shalt  }
0x7b: {  	_ =	shalt  }
0x7c: {  	_ =	shalt  }
0x7d: {  	_ =	shalt  }
0x7e: {  	_ =	shalt  }
0x7f: {  	_ =	shalt  }
0x80: {  	_ =	shalt  }
0x81: {  	_ =	shalt  }
0x82: {  	_ =	shalt  }
0x83: {  	_ =	shalt  }
0x84: {  	_ =	shalt  }
0x85: {  	_ =	shalt  }
0x86: {  	_ =	shalt  }
0x87: {  	_ =	shalt  }
.Lfunc_end0:
.L_simem_size_0:
called_computation_lowered:
.L_overlay_start_0:
0x88: {  	s2 =	sld [smem:$0x3FD9]  }
0x89: {  	s3 =	sld [smem:$0x3FFE];
	_ =	sdelay $0x1  }
0x8a: {  	s1 =	srdreg.scid  }
0x8b: {  	s0 =	sand.u32 $0x1, s1  }
0x8c: {  	s14 =	sshll.u32 s0, $0xA;
	s2 =	sadd.s32 s3, s2  }
0x8d: {  	s2 =	sadd.s32 s2, s14  }
0x8e: {  	[smem:$0x3FC6] =	sst s2  }
0x8f: {  	_ = 	snop  }
0x90: {  	s2 =	sld [smem:$0x3FD0];
	_ =	sdelay $0x2  }
0x91: {  	s15 =	simm.s32 $0xA;
	s4 =	simm.s32 $0x10  }
0x92: {  	[smem:s4], [sflag:s15] =	dma.local [hbm:s2], $0x1  }
0x93: {  	_ =	swait.eq [sflag:s15], $0x1  }
0x94: {  	[sflag:s15] =	ssyncset.done $0x0  }
0x95: {  	[sflag:s15] =	ssyncadd.s32 $0xFFFFFFFF  }
0x96: {  	s16 =	sld [smem:$0x12];
	(tm) =	ssettm $0x1  }
0x97: {  	s17 =	sld [smem:$0x3FFB];
	_ =	sdelay $0x3  }
0x98: {  	_ =	strace s17  }
0x99: {  	s3 =	sld [smem:$0x3FFC];
	_ =	sdelay $0x3  }
0x9a: {  	_ =	strace s3  }
0x9b: {  	s3 =	sld [smem:$0x3FFD];
	_ =	sdelay $0x3  }
0x9c: {  	_ =	strace s3  }
0x9d: {  	_ =	strace $0x8FFFFFFF  }
0x9e: {  	s18 =	sld [smem:$0x3FDB];
	_ =	sdelay $0x1  }
0x9f: {  	s19 =	simm.s32 $_scs_section_size  }
0xa0: {  	s5 =	simm.s32 $_size__tile_overlayer_lowered;
	s6 =	simm.s32 $_tile_overlayer_lowered  }
0xa1: {  	s22 =	simm.s32 $0x1BFF;
	s21 =	sshll.u32 s6, $0x1;
	s3 =	sadd.s32 s19, s18  }
0xa2: {  	s7 =	simm.s32 $0x0;
	s20 =	sshll.u32 s5, $0x1;
	s5 =	sadd.s32 s21, s3  }
0xa3: {  	[timem:s7], [sflag:s22] =	dma.local [hbm:s5], s20  }
0xa4: {  	_ =	swait.ge [sflag:s22], s20  }
0xa5: {  	s4 =	ssub.s32 $0x0, s20;
	[sflag:s22] =	ssyncset.done $0x0  }
0xa6: {  	[sflag:s22] =	ssyncadd.s32 s4;
	_ =	sdelay $0x1  }
0xa7: {  	s23 =	simm.s32 $0x1B8B  }
0xa8: {  	_ =	swait.ge [sflag:s23], $0x1  }
0xa9: {  	[sflag:s23] =	ssyncset.done $0x0  }
0xaa: {  	s25 =	simm.s32 $0x1B8E;
	s24 =	sld [smem:$0x3FFE];
	[sflag:s23] =	ssyncadd.s32 $0xFFFFFFFF  }
0xab: {  	s26 =	simm.s32 $execute0_lowered;
	[smem:$0x3FD2] =	sst s25  }
0xac: {  	s5 =	sshll.u32 s26, $0x1;
	_ =	strace $0x80000046;
	[dreg:$0x1] =	wrdreg $0xFFFFFFFF  }
0xad: {  	s28 =	simm.s32 $_size_execute0_lowered;
	s3 =	sadd.s32 s3, s5;
	[dreg:$0x0] =	wrdreg $0x0  }
0xae: {  	s5 =	sshll.u32 s28, $0x1;
	[dreg:$0x2] =	wrdreg s3  }
0xaf: {  	[dreg:$0x3] =	wrdreg s5  }
0xb0: {  	[dreg:$0x4] =	wrdreg $0xC0  }
0xb1: {  	_ =	task [dreg:s7], $0x5FFFF  }
0xb2: {  	[dreg:$0x1] =	wrdreg $0xFFFFFFFF  }
0xb3: {  	[dreg:$0x0] =	wrdreg $0x60  }
0xb4: {  	[dreg:$0x2] =	wrdreg s24  }
0xb5: {  	[dreg:$0x3] =	wrdreg s16  }
0xb6: {  	[dreg:$0x4] =	wrdreg $0x9  }
0xb7: {  	_ =	task.clear_ibuf [dreg:s7], $0x5FFFF;
	_ =	strace $0x90000046  }
0xb8: {  	s29 =	simm.s32 $0x9;
	_ =	strace $0x80000048  }
0xb9: {  	_ =	swait.ge [sflag:s29], $0x1  }
0xba: {  	[sflag:s29] =	ssyncadd.s32 $0xFFFFFFFF  }
0xbb: {  	_ =	strace $0x90000048  }
0xbc: {  	_ =	sfence  }
0xbd: {  	s30 =	sld [smem:$0x0];
	_ =	sdelay $0x2  }
0xbe: {  	s31 =	sshll.u32 s1, $0xD;
	s1 =	sshrl.u32 s1, $0x2  }
0xbf: {  	s3 =	sand.u32 $0x4000, s31;
	s1 =	sadd.s32 s1, s30  }
0xc0: {  	s0 =	sor.u32 s3, s0;
	s1 =	sshll.u32 s1, $0x11  }
0xc1: {  	s0 =	sor.u32 s1, s0  }
0xc2: {  	s0 =	sadd.s32 $0x8F2B, s0  }
0xc3: {  	[sflag:s0] =	ssyncadd.remote.s32 $0x1  }
0xc4: {  	_ =	sfence.sel $0xFFFF  }
0xc5: {  	[dreg:$0x0] =	wrdreg $0xFFFFFFFF;
	(pc) =	sbr.abs _section_cstart, $3  }
0xc6: {  	[dreg:$0x1] =	wrdreg $0xFFFFFFFF  }
0xc7: {  	_ =	task.clear_ibuf [dreg:s7], $0x2FFFF;
	_ =	strace $0x9FFFFFFF  }
0xc8: {  	(tm) =	ssettm $0x7FFFFFFF  }
0xc9: {  	_ =	shalt  }
tec
execute0_lowered:
.L_overlay_start_1:
0x0: {  	(tag) =	ssettag $0x1  }
0x1: {  	s0 =	srdreg.scid;
	s5 =	rddreg [dreg:$0x0]  }
0x2: {  	s2 =	stileid.u32;
	s16 =	rddreg [dreg:$0x1]  }
0x3: {  	s18 =	simm.s32 $0x1;
	s19 =	simm.s32 $0x1400;
	s20 =	simm.s32 $0x2800  }
0x4: {  	s21 =	simm.s32 $0x3C00;
	s22 =	simm.s32 $0x5000;
	s23 =	simm.s32 $0x6400  }
0x5: {  	s24 =	simm.s32 $0x7800;
	s25 =	simm.s32 $0x8C00;
	s4 =	sshrl.u32 s2, $0x1  }
0x6: {  	s0 =	sand.u32 $0x1, s0;
	s1 =	sshll.u32 s2, $0x1;
	s6 =	smul.u32 $0x13880, s4  }
0x7: {  	s2 =	simm.s32 $0x0;
	s1 =	sor.u32 s0, s1;
	s7 =	smul.u32 $0x4E20, s4  }
0x8: {  	s4 =	smul.u32 $0x600, s4;
	[smem:$0x7FF] =	sst s2;
	s0 =	ssub.s32 $0x2, s0  }
0x9: {  	s3 =	sand.u32 $0x3, s1;
	_ =	strace $0x80000047;
	s31 =	sshrl.u32 s0, $0x1  }
0xa: {  	s1 =	sshll.u32 s1, $0x1;
	s26 =	smul.u32 $0x1388, s3;
	s0 =	ssub.s32 s0, s31  }
0xb: {  	s3 =	smul.u32 $0x180, s3;
	s16 =	sadd.s32 s16, s1;
	s17 =	smax.u32 s0, $0x1  }
0xc: {  	s0 =	simm.s32 $0xA900;
	s6 =	sadd.s32 s6, s26;
	s29 =	sadd.s32 s7, s26  }
0xd: {  	s3 =	sadd.s32 s4, s3;
	v0 =	vmov s26;
	s26 =	simm.s32 $0x0;
	s30 =	sshrl.u32 s29, $0x3  }
0xe: {  	s6 =	sshrl.u32 s6, $0x3;
	s3 =	sshrl.u32 s3, $0x3;
	s9 =	sadd.s32 s30, s5  }
0xf: {  	s8 =	sadd.s32 s6, s5;
	s15 =	sadd.s32 s3, s5;
	s3 =	sadd.s32 $0xA00, s9  }
0x10: {  	s4 =	sadd.s32 $0xAA00, s8;
	s5 =	sadd.s32 $0xB3C4, s8;
	s6 =	sadd.s32 $0xBD88, s8  }
0x11: {  	s7 =	sadd.s32 $0xC74C, s8;
	s8 =	sadd.s32 $0x5A00, s9;
	s9 =	sadd.s32 $0x1E400, s15  }
0x12: {  	s10 =	sadd.s32 $0x1EA00, s15;
	s11 =	sadd.s32 $0x1F000, s15;
	s12 =	sadd.s32 $0x1F600, s15  }
0x13: {  	v1 =	vimm.f32 $-Inf;
	v2 =	vimm.s32 $0x0;
	v3 =	vlaneseq.u32;
	s13 =	sadd.s32 $0x1FC00, s15;
	s14 =	sadd.s32 $0x20200, s15;
	s15 =	sadd.s32 $0x20800, s15  }
.LBB2_1:
0x14: {  	[tilespmem:s2], [sflag:$0x1] =	stream.linear.gather [hbm4b:s3+s2], $0x1388, $0x38;
	[tilespmem:$0xA980] =	vst v63  }
0x15: {  	_ =	swait.ge [sflag:s18], $0x1388  }
0x16: {  	[sflag:s18] =	ssyncset.done $0x0  }
0x17: {  	[sflag:s18] =	ssyncadd.s32 $0xFFFFEC78  }
0x18: {  	[tilespmem:s19], [sflag:$0x1] =	stream.linear.gather [hbm4b:s4+s2], $0x1388, $0x38;
	[tilespmem:$0xA980] =	vst v63  }
0x19: {  	_ =	swait.ge [sflag:s18], $0x1388  }
0x1a: {  	[sflag:s18] =	ssyncset.done $0x0  }
0x1b: {  	[sflag:s18] =	ssyncadd.s32 $0xFFFFEC78  }
0x1c: {  	[tilespmem:s20], [sflag:$0x1] =	stream.linear.gather [hbm4b:s5+s2], $0x1388, $0x38;
	[tilespmem:$0xA980] =	vst v63  }
0x1d: {  	_ =	swait.ge [sflag:s18], $0x1388  }
0x1e: {  	[sflag:s18] =	ssyncset.done $0x0  }
0x1f: {  	[sflag:s18] =	ssyncadd.s32 $0xFFFFEC78  }
0x20: {  	[tilespmem:s21], [sflag:$0x1] =	stream.linear.gather [hbm4b:s6+s2], $0x1388, $0x38;
	[tilespmem:$0xA980] =	vst v63  }
0x21: {  	_ =	swait.ge [sflag:s18], $0x1388  }
0x22: {  	[sflag:s18] =	ssyncset.done $0x0  }
0x23: {  	[sflag:s18] =	ssyncadd.s32 $0xFFFFEC78  }
0x24: {  	[tilespmem:s22], [sflag:$0x1] =	stream.linear.gather [hbm4b:s7+s2], $0x1388, $0x38;
	[tilespmem:$0xA980] =	vst v63  }
0x25: {  	_ =	swait.ge [sflag:s18], $0x1388  }
0x26: {  	[sflag:s18] =	ssyncset.done $0x0  }
0x27: {  	[sflag:s18] =	ssyncadd.s32 $0xFFFFEC78  }
0x28: {  	[tilespmem:s23], [sflag:$0x1] =	stream.linear.gather [hbm4b:s8+s2], $0x1388, $0x38;
	[tilespmem:$0xA980] =	vst v63  }
0x29: {  	_ =	swait.ge [sflag:s18], $0x1388  }
0x2a: {  	[sflag:s18] =	ssyncset.done $0x0  }
0x2b: {  	s28 =	simm.s32 $0x0;
	[sflag:s18] =	ssyncadd.s32 $0xFFFFEC78  }
.LBB2_2:
0x2c: {  	p0 =	seq.s32 s28, $0x600  }
.Ltmp0:
0x2d: {  	_ = 	snop;
	(pc) =	sbr.rel @!p0 .LBB2_2-.Ltmp0, $4  }
0x2e: {  	_ = 	snop  }
0x2f: {  	s29 =	sshra.s32 s28, $0x2  }
0x30: {  	[tilespmem:s29+$0x7800] =	vst v1  }
0x31: {  	s28 =	sadd.s32 $0x40, s28;
	[tilespmem:s29+$0x8C00] =	vst v2  }
0x32: {  	s28 =	simm.s32 $0x0  }
0x33: {  	v4 =	vld [tilespmem:s28+$0x0];
	_ =	sdelay $0x3  }
0x34: {  	v5 =	vor.u32 s28, v3  }
0x35: {  	vm0 =	vlt.u32 v5, $0x1388;
	vm1 =	vge.f32 v4, $9.993432760e-01  }
0x36: {  	vm0 =	vmand vm0, vm1  }
0x37: {  	v6 =	vsel vm0, $0x1, v2  }
0x38: {  	(xrf0) =	vadd.scan.msk.s32 $0xffff, v6;
	_ =	sdelay $0x4  }
0x39: {  	v6 =	vmov s28  }
0x3a: {  	v6 =	vadd.s32 $0xFFFFFFFF, v6;
	v7, _, _ =	vpop (xrf0)  }
0x3b: {  	v6 =	vbroadcast v6, $0x0;
	v8 =	vxor.u32 $0x80000000, v7  }
0x3c: {  	(xrf0) =	vmax.scan.msk.u32 $0xffff, v8  }
0x3d: {  	v6 =	vadd.s32 v7, v6;
	_ =	sdelay $0x4  }
0x3e: {  	[tilespmem:v6+s24+$0x0] =	vst.idx.msk vm0, v4;
	v4, _, _ =	vpop (xrf0)  }
0x3f: {  	(v2sf) =	vpush v4, $0xF;
	_ =	sdelay $0x1  }
0x40: {  	s29 =	simm.s32 $0x10;
	[tilespmem:v6+s25+$0x0] =	vst.idx.msk vm0, v5  }
0x41: {  	s30 =	simm.s32 $0x20;
	s31 =	simm.s32 $0x10;
	v4 =	vld [tilespmem:s29+$0x0]  }
.LBB2_4:
0x42: {  	p0 =	seq.s32 s30, $0x1380;
	_ =	sdelay $0x2  }
0x43: {  	v5 =	vor.u32 s29, v3;
	s29 =	smov.u32 s30  }
0x44: {  	vm0 =	vlt.u32 v5, $0x1388;
	vm1 =	vge.f32 v4, $9.993432760e-01  }
0x45: {  	vm0 =	vmand vm0, vm1  }
0x46: {  	v6 =	vsel vm0, $0x1, v2  }
0x47: {  	(xrf0) =	vadd.scan.msk.s32 $0xffff, v6;
	_ =	sdelay $0x3  }
0x48: {  	s1 =	spop (v2sf)  }
0x49: {  	s1 =	sadd.s32 s1, s28  }
0x4a: {  	v6, _, _ =	vpop (xrf0);
	s28 =	sadd.s32 $0x80000000, s1  }
0x4b: {  	v7 =	vmov s28;
	v8 =	vxor.u32 $0x80000000, v6  }
0x4c: {  	v7 =	vadd.s32 $0xFFFFFFFF, v7;
	(xrf0) =	vmax.scan.msk.u32 $0xffff, v8  }
0x4d: {  	v7 =	vbroadcast v7, $0x0;
	_ =	sdelay $0x1  }
0x4e: {  	v6 =	vadd.s32 v6, v7;
	_ =	sdelay $0x2  }
.Ltmp1:
0x4f: {  	v7, _, _ =	vpop (xrf0);
	(pc) =	sbr.rel @!p0 .LBB2_4-.Ltmp1, $4  }
0x50: {  	(v2sf) =	vpush v7, $0xF  }
0x51: {  	[tilespmem:v6+s24+$0x0] =	vst.idx.msk vm0, v4  }
0x52: {  	s31 =	sadd.s32 $0x10, s31;
	[tilespmem:v6+s25+$0x0] =	vst.idx.msk vm0, v5  }
0x53: {  	s30 =	sadd.s32 $0x10, s30;
	v4 =	vld [tilespmem:s31+$0x0]  }
0x54: {  	_ =	sdelay $0x2  }
0x55: {  	v5 =	vor.u32 s29, v3  }
0x56: {  	vm0 =	vlt.u32 v5, $0x1388;
	vm1 =	vge.f32 v4, $9.993432760e-01  }
0x57: {  	vm0 =	vmand vm0, vm1  }
0x58: {  	v6 =	vsel vm0, $0x1, v2  }
0x59: {  	(xrf0) =	vadd.scan.msk.s32 $0xffff, v6;
	_ =	sdelay $0x5  }
0x5a: {  	v6, _, _ =	vpop (xrf0)  }
0x5b: {  	v7 =	vxor.u32 $0x80000000, v6  }
0x5c: {  	(xrf0) =	vmax.scan.msk.u32 $0xffff, v7;
	_ =	sdelay $0x5  }
0x5d: {  	v7, _, _ =	vpop (xrf0)  }
0x5e: {  	(v2sf) =	vpush v7, $0xF;
	_ =	sdelay $0x3  }
0x5f: {  	s1 =	spop (v2sf)  }
0x60: {  	s1 =	sadd.s32 s1, s28  }
0x61: {  	s1 =	sadd.s32 $0x80000000, s1  }
0x62: {  	v7 =	vmov s1  }
0x63: {  	v7 =	vadd.s32 $0xFFFFFFFF, v7  }
0x64: {  	v7 =	vbroadcast v7, $0x0;
	_ =	sdelay $0x1  }
0x65: {  	v6 =	vadd.s32 v6, v7;
	_ =	sdelay $0x3  }
0x66: {  	s28 =	spop (v2sf)  }
0x67: {  	[tilespmem:v6+s24+$0x0] =	vst.idx.msk vm0, v4;
	s1 =	sadd.s32 s28, s1  }
0x68: {  	s29 =	simm.s32 $0x7800;
	[tilespmem:v6+s25+$0x0] =	vst.idx.msk vm0, v5;
	s28 =	sadd.s32 $0x80000000, s1  }
0x69: {  	v6 =	vld [tilespmem:s29+$0x0];
	v4 =	vmov s28;
	s28 =	simm.s32 $0x8C00  }
0x6a: {  	s30 =	simm.s32 $0x0;
	s31 =	simm.s32 $0x10;
	v5 =	vld [tilespmem:s28+$0x0]  }
.LBB2_6:
0x6b: {  	p0 =	sne.s32 s31, $0x170  }
0x6c: {  	v7 =	vor.u32 s30, v3;
	s30 =	smov.u32 s31  }
0x6d: {  	vm0 =	vlt.s32 v7, v4  }
.Ltmp2:
0x6e: {  	v6 =	vnsel vm0, $0xFF800000, v6;
	(pc) =	sbr.rel @p0 .LBB2_6-.Ltmp2, $4  }
0x6f: {  	[tilespmem:s29+$0x0] =	vst v6;
	v5 =	vnsel vm0, $0x0, v5  }
0x70: {  	s29 =	sadd.s32 $0x10, s29;
	[tilespmem:s28+$0x0] =	vst v5  }
0x71: {  	s28 =	sadd.s32 $0x10, s28;
	v6 =	vld [tilespmem:s29+$0x0]  }
0x72: {  	s31 =	sadd.s32 $0x10, s31;
	v5 =	vld [tilespmem:s28+$0x0]  }
0x73: {  	_ = 	snop  }
0x74: {  	v7 =	vor.u32 s30, v3  }
0x75: {  	vm0 =	vlt.s32 v7, v4  }
0x76: {  	v6 =	vnsel vm0, $0xFF800000, v6  }
0x77: {  	[tilespmem:s29+$0x0] =	vst v6;
	v5 =	vnsel vm0, $0x0, v5  }
0x78: {  	[tilespmem:s28+$0x0] =	vst v5;
	s28 =	simm.s32 $0x0  }
0x79: {  	v5 =	vld [tilespmem:s28+$0x8C00];
	_ =	sdelay $0x7  }
0x7a: {  	v6 =	vld.idx.msk [tilespmem:v5+s19+$0x0], $0xffff;
	_ =	sdelay $0x4  }
0x7b: {  	[tilespmem:s28+$0xA000] =	vst v6  }
0x7c: {  	v6 =	vld.idx.msk [tilespmem:v5+s20+$0x0], $0xffff;
	_ =	sdelay $0x4  }
0x7d: {  	[tilespmem:s28+$0xA180] =	vst v6  }
0x7e: {  	v6 =	vld.idx.msk [tilespmem:v5+s21+$0x0], $0xffff;
	_ =	sdelay $0x4  }
0x7f: {  	[tilespmem:s28+$0xA300] =	vst v6  }
0x80: {  	v6 =	vld.idx.msk [tilespmem:v5+s22+$0x0], $0xffff;
	_ =	sdelay $0x3  }
0x81: {  	s30 =	simm.s32 $0x10;
	s29 =	simm.s32 $0x80  }
.LBB2_8:
0x82: {  	p0 =	sne.s32 s29, $0x5C0;
	v7 =	vld [tilespmem:s30+$0x8C00];
	[tilespmem:s28+$0xA480] =	vst v6;
	v6 =	vadd.s32 v0, v5  }
0x83: {  	v8 =	vld.idx.msk [tilespmem:v5+s23+$0x0], $0xffff;
	[tilespmem:s28+$0xA780] =	vst v6;
	_ =	sdelay $0x3  }
0x84: {  	v5 =	vmov v7;
	_ =	sdelay $0x1  }
0x85: {  	[tilespmem:s28+$0xA600] =	vst v8;
	s28 =	smov.u32 s30  }
0x86: {  	v6 =	vld.idx.msk [tilespmem:v7+s19+$0x0], $0xffff;
	_ =	sdelay $0x5  }
0x87: {  	[tilespmem:s28+$0xA000] =	vst v6  }
0x88: {  	v6 =	vld.idx.msk [tilespmem:v7+s20+$0x0], $0xffff;
	_ =	sdelay $0x5  }
0x89: {  	[tilespmem:s28+$0xA180] =	vst v6  }
0x8a: {  	v6 =	vld.idx.msk [tilespmem:v7+s21+$0x0], $0xffff;
	_ =	sdelay $0x5  }
0x8b: {  	[tilespmem:s28+$0xA300] =	vst v6  }
0x8c: {  	v6 =	vld.idx.msk [tilespmem:v7+s22+$0x0], $0xffff  }
.Ltmp3:
0x8d: {  	(pc) =	sbr.rel @p0 .LBB2_8-.Ltmp3, $2  }
0x8e: {  	_ =	sdelay $0x2  }
0x8f: {  	s30 =	sshra.s32 s29, $0x2;
	s29 =	sadd.s32 $0x40, s29  }
0x90: {  	_ =	sdelay $0x1  }
0x91: {  	v7 =	vld [tilespmem:s30+$0x8C00]  }
0x92: {  	[tilespmem:s28+$0xA480] =	vst v6  }
0x93: {  	v6 =	vld.idx.msk [tilespmem:v5+s23+$0x0], $0xffff;
	_ =	sdelay $0x2  }
0x94: {  	v5 =	vadd.s32 v0, v5  }
0x95: {  	[tilespmem:s28+$0xA780] =	vst v5  }
0x96: {  	[tilespmem:s28+$0xA600] =	vst v6  }
0x97: {  	v5 =	vld.idx.msk [tilespmem:v7+s19+$0x0], $0xffff;
	_ =	sdelay $0x4  }
0x98: {  	[tilespmem:s30+$0xA000] =	vst v5  }
0x99: {  	v5 =	vld.idx.msk [tilespmem:v7+s20+$0x0], $0xffff;
	_ =	sdelay $0x4  }
0x9a: {  	[tilespmem:s30+$0xA180] =	vst v5  }
0x9b: {  	v5 =	vld.idx.msk [tilespmem:v7+s21+$0x0], $0xffff;
	_ =	sdelay $0x4  }
0x9c: {  	[tilespmem:s30+$0xA300] =	vst v5  }
0x9d: {  	v5 =	vld.idx.msk [tilespmem:v7+s22+$0x0], $0xffff;
	_ =	sdelay $0x4  }
0x9e: {  	[tilespmem:s30+$0xA480] =	vst v5  }
0x9f: {  	v5 =	vld.idx.msk [tilespmem:v7+s23+$0x0], $0xffff;
	_ =	sdelay $0x2  }
0xa0: {  	v63 =	vadd.s32 v0, v7  }
0xa1: {  	[tilespmem:s30+$0xA780] =	vst v63  }
0xa2: {  	[tilespmem:s30+$0xA600] =	vst v5  }
0xa3: {  	[hbm4b:s9+s2] =	stream.linear.scatter [tilespmem:s24], [sflag:$0x1], $0x180, $0x38;
	[tilespmem:$0xA980] =	vst v63  }
0xa4: {  	_ =	swait.ge [sflag:s18], $0x180  }
0xa5: {  	[sflag:s18] =	ssyncset.done $0x0  }
0xa6: {  	s1 =	simm.s32 $0xA000;
	[sflag:s18] =	ssyncadd.s32 $0xFFFFFE80  }
0xa7: {  	[hbm4b:s10+s2] =	stream.linear.scatter [tilespmem:s1], [sflag:$0x1], $0x180, $0x38;
	[tilespmem:$0xA980] =	vst v63  }
0xa8: {  	_ =	swait.ge [sflag:s18], $0x180  }
0xa9: {  	[sflag:s18] =	ssyncset.done $0x0  }
0xaa: {  	s31 =	simm.s32 $0xA180;
	[sflag:s18] =	ssyncadd.s32 $0xFFFFFE80  }
0xab: {  	[hbm4b:s11+s2] =	stream.linear.scatter [tilespmem:s31], [sflag:$0x1], $0x180, $0x38;
	[tilespmem:$0xA980] =	vst v63  }
0xac: {  	_ =	swait.ge [sflag:s18], $0x180  }
0xad: {  	[sflag:s18] =	ssyncset.done $0x0  }
0xae: {  	s28 =	simm.s32 $0xA300;
	[sflag:s18] =	ssyncadd.s32 $0xFFFFFE80  }
0xaf: {  	[hbm4b:s12+s2] =	stream.linear.scatter [tilespmem:s28], [sflag:$0x1], $0x180, $0x38;
	[tilespmem:$0xA980] =	vst v63  }
0xb0: {  	_ =	swait.ge [sflag:s18], $0x180  }
0xb1: {  	[sflag:s18] =	ssyncset.done $0x0  }
0xb2: {  	s29 =	simm.s32 $0xA480;
	[sflag:s18] =	ssyncadd.s32 $0xFFFFFE80  }
0xb3: {  	[hbm4b:s13+s2] =	stream.linear.scatter [tilespmem:s29], [sflag:$0x1], $0x180, $0x38;
	[tilespmem:$0xA980] =	vst v63  }
0xb4: {  	_ =	swait.ge [sflag:s18], $0x180  }
0xb5: {  	[sflag:s18] =	ssyncset.done $0x0  }
0xb6: {  	s30 =	simm.s32 $0xA600;
	[sflag:s18] =	ssyncadd.s32 $0xFFFFFE80  }
0xb7: {  	[hbm4b:s14+s2] =	stream.linear.scatter [tilespmem:s30], [sflag:$0x1], $0x180, $0x38;
	[tilespmem:$0xA980] =	vst v63  }
0xb8: {  	_ =	swait.ge [sflag:s18], $0x180  }
0xb9: {  	[sflag:s18] =	ssyncset.done $0x0  }
0xba: {  	s31 =	simm.s32 $0xA780;
	[sflag:s18] =	ssyncadd.s32 $0xFFFFFE80  }
0xbb: {  	[hbm4b:s15+s2] =	stream.linear.scatter [tilespmem:s31], [sflag:$0x1], $0x180, $0x38;
	[tilespmem:$0xA980] =	vst v63  }
0xbc: {  	_ =	swait.ge [sflag:s18], $0x180  }
0xbd: {  	s26 =	sadd.s32 $0x1, s26;
	[sflag:s18] =	ssyncset.done $0x0  }
0xbe: {  	p0 =	sne.s32 s26, s17;
	[sflag:s18] =	ssyncadd.s32 $0xFFFFFE80  }
.Ltmp4:
0xbf: {  	[tilespmem:$0xA900] =	vst v4;
	(pc) =	sbr.rel @p0 .LBB2_1-.Ltmp4, $4  }
0xc0: {  	[hbm4b:s16+s2] =	stream.linear.scatter [tilespmem:s0], [sflag:$0x1], $0x10, $0x38;
	[tilespmem:$0xA980] =	vst v63  }
0xc1: {  	_ =	swait.ge [sflag:s18], $0x10  }
0xc2: {  	[sflag:s18] =	ssyncset.done $0x0  }
0xc3: {  	[sflag:s18] =	ssyncadd.s32 $0xFFFFFFF0  }
0xc4: {  	_ =	sfence.sel $0x180000  }
0xc5: {  	[bflag:$0x0] =	sbarrier.arrive $0xFFFF  }
0xc6: {  	_ =	strace $0x90000047  }
0xc7: {  	s0 =	stileid.u32;
	[bflag:$0x2] =	sbarrier.arrive $0xFFFF  }
0xc8: {  	p0 =	sne.s32 s0, $0x0;
	s0 =	rddreg [dreg:$0x2]  }
0xc9: {  	s0 =	sadd.s32 @!p0 $0x100000, s0  }
0xca: {  	[sflag:s0] =	ssyncadd.tile.s32 @!p0 $0x1;
	_ =	shalt  }
.Lfunc_end2:
_tile_overlayer_lowered:
.L_overlay_start_2:
0xcb: {  	(tag) =	ssettag $0x2  }
0xcc: {  	s0 =	rddreg [dreg:$0x0];
	s2 =	stileid.u32  }
0xcd: {  	s1 =	rddreg [dreg:$0x1];
	p0 =	sne.s32 s2, $0x0  }
0xce: {  	s3 =	rddreg [dreg:$0x2];
	[bflag:$0x3] =	sbarrier.arrive $0xFFFF;
	s2 =	simm.s32 @!p0 $0x1C01  }
0xcf: {  	[timem:s3], [sflag:s2] =	dma.local @!p0 [hbm:s0], s1  }
0xd0: {  	s0 =	simm.s32 @!p0 $0x1  }
0xd1: {  	_ =	swait.ge @!p0 [sflag:s0], s1  }
0xd2: {  	s1 =	ssub.s32 @!p0 $0x0, s1;
	[sflag:s0] =	ssyncset.done @!p0 $0x0  }
0xd3: {  	[sflag:s0] =	ssyncadd.s32 @!p0 s1  }
0xd4: {  	[bflag:$0x3] =	sbarrier.arrive $0xFFFF  }
0xd5: {  	_ =	shalt  }

</sc_bundles>
